<compile_context>
chip_gen: v7x
topology: tpu7x:2x2x1
jax: 0.10.2.dev20260603
libtpu: 0.0.44.dev20260713+nightly
codegen_flags: <defaults>
</compile_context>

<pallas_src>
import functools

import jax
import jax.numpy as jnp
from jax import lax
from jax.experimental import pallas as pl
from jax.experimental.pallas import tpu as pltpu
from jax.experimental.pallas import tpu_sc as plsc

N = 50000
E = 800000
H = 128
G = 128

NP = 50048
ROWS = NP // 128
PAD_NODE = N
NC = 2
NS = 16
NW = NC * NS
EW = 25088
E_PAD = NW * EW

NCH = 4
CH = EW // NCH

BN = 2176
NBLK = NP // BN

_f32 = jnp.float32

_sc_mesh = plsc.VectorSubcoreMesh(
    core_axis_name="c", subcore_axis_name="s", num_cores=NC, num_subcores=NS)


def _deg_body(dst_hbm, zeros_hbm, out_hbm, dst_v, ones_v, acc_sh, sem_i):
    c = lax.axis_index("c")
    s = lax.axis_index("s")
    wid = c * NS + s
    idx_cp = pltpu.async_copy(dst_hbm.at[wid], dst_v, sem_i)
    ones16 = jnp.ones((16,), _f32)

    def _fill(i, carry):
        ones_v[pl.ds(i * 16, 16)] = ones16
        return carry

    lax.fori_loop(0, EW // 16, _fill, 0)

    @pl.when(s == 0)
    def _():
        pltpu.sync_copy(zeros_hbm, acc_sh)

    idx_cp.wait()
    plsc.subcore_barrier()
    pltpu.sync_copy(ones_v, acc_sh.at[dst_v], add=True)
    plsc.subcore_barrier()

    @pl.when(s == 0)
    def _():
        pltpu.sync_copy(acc_sh, out_hbm.at[c])


_deg_kernel = pl.kernel(
    _deg_body,
    out_type=jax.ShapeDtypeStruct((NC, NP), _f32),
    mesh=_sc_mesh,
    scratch_types=[
        pltpu.VMEM((EW,), jnp.int32),
        pltpu.VMEM((EW,), _f32),
        pltpu.VMEM_SHARED((NP,), _f32),
        pltpu.SemaphoreType.DMA,
    ],
)


def _make_gather_scatter(ntab):

    def body(*refs):
        src_hbm, dst_hbm, zeros_hbm = refs[0], refs[1], refs[2]
        tabs = refs[3:3 + ntab]
        outs = refs[3 + ntab:3 + 2 * ntab]
        r = 3 + 2 * ntab
        src_v, dst_v = refs[r], refs[r + 1]
        gats = refs[r + 2:r + 2 + ntab]
        accs = refs[r + 2 + ntab:r + 2 + 2 * ntab]
        sem_i0, sem_i1 = refs[r + 2 + 2 * ntab], refs[r + 3 + 2 * ntab]
        q = r + 4 + 2 * ntab
        sem_g = [refs[q + t * NCH:q + (t + 1) * NCH] for t in range(ntab)]
        sem_s = refs[q + ntab * NCH:]
        c = lax.axis_index("c")
        s = lax.axis_index("s")
        wid = c * NS + s
        src_cp = pltpu.async_copy(src_hbm.at[wid], src_v, sem_i0)
        dst_cp = pltpu.async_copy(dst_hbm.at[wid], dst_v, sem_i1)

        @pl.when(s == 0)
        def _():
            for t in range(ntab):
                pltpu.sync_copy(zeros_hbm, accs[t])

        src_cp.wait()
        chunk = lambda ref, k: ref.at[pl.ds(k * CH, CH)]
        gat_cps = [[None] * NCH for _ in range(ntab)]
        for t in range(ntab):
            gat_cps[t][0] = pltpu.async_copy(
                tabs[t].at[chunk(src_v, 0)], chunk(gats[t], 0), sem_g[t][0])
        dst_cp.wait()
        plsc.subcore_barrier()
        sc_cps = [[None] * NCH for _ in range(ntab)]
        for k in range(NCH):
            if k + 1 < NCH:
                for t in range(ntab):
                    gat_cps[t][k + 1] = pltpu.async_copy(
                        tabs[t].at[chunk(src_v, k + 1)],
                        chunk(gats[t], k + 1), sem_g[t][k + 1])
            for t in range(ntab):
                gat_cps[t][k].wait()
                sc_cps[t][k] = pltpu.async_copy(
                    chunk(gats[t], k), accs[t].at[chunk(dst_v, k)],
                    sem_s[t], add=True)
        for t in range(ntab):
            for k in range(NCH):
                sc_cps[t][k].wait()
        plsc.subcore_barrier()

        @pl.when(s == 0)
        def _():
            for t in range(ntab):
                pltpu.sync_copy(accs[t], outs[t].at[c])

    return pl.kernel(
        body,
        out_type=tuple(
            jax.ShapeDtypeStruct((NC, NP), _f32) for _ in range(ntab)),
        mesh=_sc_mesh,
        scratch_types=(
            [pltpu.VMEM((EW,), jnp.int32),
             pltpu.VMEM((EW,), jnp.int32)]
            + [pltpu.VMEM((EW,), _f32) for _ in range(ntab)]
            + [pltpu.VMEM_SHARED((NP,), _f32) for _ in range(ntab)]
            + [pltpu.SemaphoreType.DMA, pltpu.SemaphoreType.DMA]
            + [pltpu.SemaphoreType.DMA for _ in range(ntab * NCH)]
            + [pltpu.SemaphoreType.DMA for _ in range(ntab)]
        ),
    )


_agg1_kernel = _make_gather_scatter(1)
_agg2_kernel = _make_gather_scatter(2)


def _stage1_body(degp_ref, x_ref, dinv_ref, xd_ref):
    deg = degp_ref[0] + degp_ref[1] + 1.0
    dinv = lax.rsqrt(deg)
    dinv_ref[...] = dinv
    xd_ref[...] = x_ref[...] * dinv


def _stage1(degp, x2d):
    return pl.pallas_call(
        _stage1_body,
        out_shape=(jax.ShapeDtypeStruct((ROWS, 128), _f32),
                   jax.ShapeDtypeStruct((ROWS, 128), _f32)),
    )(degp, x2d)


def _stage2_body(aggp_ref, dinv_ref, xd_ref, apd_ref, and_ref):
    dinv = dinv_ref[...]
    agg1 = dinv * (aggp_ref[0] + aggp_ref[1] + xd_ref[...])
    apd_ref[...] = jnp.maximum(agg1, 0.0) * dinv
    and_ref[...] = jnp.minimum(agg1, 0.0) * dinv


def _stage2(aggp, dinv2, xd2):
    return pl.pallas_call(
        _stage2_body,
        out_shape=(jax.ShapeDtypeStruct((ROWS, 128), _f32),
                   jax.ShapeDtypeStruct((ROWS, 128), _f32)),
    )(aggp, dinv2, xd2)


def _stage3_body(pp_ref, pn_ref, dinv_ref, apd_ref, and_ref, bat_ref,
                 w1_ref, w2_ref, b2_ref, w3_ref, b3_ref, out_ref,
                 acc_ref, cnt_ref):
    i = pl.program_id(0)

    @pl.when(i == 0)
    def _():
        acc_ref[...] = jnp.zeros_like(acc_ref)
        cnt_ref[...] = jnp.zeros_like(cnt_ref)

    dinv = dinv_ref[...]
    sp = dinv * (pp_ref[0] + pp_ref[1] + apd_ref[...])
    sn = dinv * (pn_ref[0] + pn_ref[1] + and_ref[...])
    u = jnp.maximum(w1_ref[...], 0.0) @ w2_ref[...]
    v = jnp.minimum(w1_ref[...], 0.0) @ w2_ref[...]
    z = jnp.maximum(sp * u + sn * v + b2_ref[...], 0.0)
    onehot = (bat_ref[...] == lax.broadcasted_iota(
        jnp.int32, (BN, G), 1)).astype(_f32)
    acc_ref[...] += lax.dot_general(
        onehot, z, (((0,), (0,)), ((), ())), preferred_element_type=_f32)
    cnt_ref[...] += lax.dot_general(
        onehot, jnp.ones((BN, 1), _f32), (((0,), (0,)), ((), ())),
        preferred_element_type=_f32)

    @pl.when(i == NBLK - 1)
    def _():
        pooled = acc_ref[...] / jnp.maximum(cnt_ref[...], 1.0)
        out_ref[...] = pooled @ w3_ref[...] + b3_ref[...]


def _stage3(pp, pn, dinv1, apd1, and1, bat1, W1, W2, b2r, W3, b3r):
    col = pl.BlockSpec((BN, 1), lambda i: (i, 0))
    par = pl.BlockSpec((NC, BN, 1), lambda i: (0, i, 0))
    full2 = lambda a, b: pl.BlockSpec((a, b), lambda i: (0, 0))
    return pl.pallas_call(
        _stage3_body,
        grid=(NBLK,),
        in_specs=[par, par, col, col, col, col,
                  full2(1, H), full2(H, H), full2(1, H),
                  full2(H, 2), full2(1, 2)],
        out_specs=full2(G, 2),
        out_shape=jax.ShapeDtypeStruct((G, 2), _f32),
        scratch_shapes=[pltpu.VMEM((G, H), _f32), pltpu.VMEM((G, 1), _f32)],
    )(pp, pn, dinv1, apd1, and1, bat1, W1, W2, b2r, W3, b3r)


def kernel(x, edge_index, batch, W1, b1, W2, b2, W3, b3):
    src = edge_index[0].astype(jnp.int32)
    dst = edge_index[1].astype(jnp.int32)
    epad = PAD_NODE + jnp.arange(E_PAD - E, dtype=jnp.int32) % (NP - N)
    src_g = jnp.concatenate([src, epad]).reshape(NW, EW)
    dst_g = jnp.concatenate([dst, epad]).reshape(NW, EW)
    zeros = jnp.zeros((NP,), _f32)
    x2d = jnp.concatenate([x[:, 0], jnp.zeros((NP - N,), _f32)]).reshape(
        ROWS, 128)
    bat1 = jnp.concatenate([batch.astype(jnp.int32),
                            jnp.full((NP - N,), G, jnp.int32)]).reshape(NP, 1)

    degp = _deg_kernel(dst_g, zeros)
    dinv2, xd2 = _stage1(degp.reshape(NC, ROWS, 128), x2d)
    (aggp,) = _agg1_kernel(src_g, dst_g, zeros, xd2.reshape(NP))
    apd2, and2 = _stage2(aggp.reshape(NC, ROWS, 128), dinv2, xd2)
    pp, pn = _agg2_kernel(src_g, dst_g, zeros,
                          apd2.reshape(NP), and2.reshape(NP))
    out = _stage3(pp.reshape(NC, NP, 1), pn.reshape(NC, NP, 1),
                  dinv2.reshape(NP, 1), apd2.reshape(NP, 1),
                  and2.reshape(NP, 1), bat1,
                  W1, W2, b2.reshape(1, H), W3, b3.reshape(1, 2))
    return out

# --- scband reference (transcript-rebuilt; emitter-appended) ---
"""Pipeline reference for scband-simple-gnn-12618613915689 (READ-ONLY COPY).

The authoritative reference and input builder live on the scoring server;
editing this copy changes nothing except your own understanding.
"""

import jax, jax.numpy as jnp
import numpy as np

N = 50000
E = 800000
H = 128
G = 128

def setup_inputs(seed: int = 0) -> dict:
    key = jax.random.key(seed)
    ks = jax.random.split(key, 8)
    x = jax.random.normal(ks[0], (N, 1), dtype=jnp.float32)
    edge_index = jax.random.randint(ks[1], (2, E), 0, N)
    batch = jnp.sort(jax.random.randint(ks[2], (N,), 0, G))
    W1 = jax.random.normal(ks[3], (1, H), dtype=jnp.float32) * 0.1
    b1 = jnp.zeros((H,), dtype=jnp.float32)
    W2 = jax.random.normal(ks[4], (H, H), dtype=jnp.float32) * 0.05
    b2 = jnp.zeros((H,), dtype=jnp.float32)
    W3 = jax.random.normal(ks[5], (H, 2), dtype=jnp.float32) * 0.1
    b3 = jnp.zeros((2,), dtype=jnp.float32)
    return {"x": x, "edge_index": edge_index, "batch": batch,
            "W1": W1, "b1": b1, "W2": W2, "b2": b2, "W3": W3, "b3": b3}


def gcn_conv(x, edge_index, W, b):
    # PyG GCNConv: add self-loops, symmetric normalization D^-1/2 (A+I) D^-1/2 X W + b
    src = edge_index[0]
    dst = edge_index[1]
    loop = jnp.arange(N, dtype=src.dtype)
    src = jnp.concatenate([src, loop])
    dst = jnp.concatenate([dst, loop])
    ones = jnp.ones(src.shape[0], dtype=x.dtype)
    deg = jax.ops.segment_sum(ones, dst, num_segments=N)
    deg_inv_sqrt = jnp.where(deg > 0, jax.lax.rsqrt(jnp.maximum(deg, 1e-12)), 0.0)
    norm = deg_inv_sqrt[src] * deg_inv_sqrt[dst]
    h = x @ W
    msg = h[src] * norm[:, None]
    out = jax.ops.segment_sum(msg, dst, num_segments=N)
    return out + b


def reference(x, edge_index, batch, W1, b1, W2, b2, W3, b3):
    h = jax.nn.relu(gcn_conv(x, edge_index, W1, b1))
    h = jax.nn.relu(gcn_conv(h, edge_index, W2, b2))
    # global_mean_pool over batch segment ids
    s = jax.ops.segment_sum(h, batch, num_segments=G)
    cnt = jax.ops.segment_sum(jnp.ones((N,), dtype=h.dtype), batch, num_segments=G)
    mean = s / jnp.maximum(cnt, 1.0)[:, None]
    return mean @ W3 + b3

if __name__ == "__main__":
    import jax
    _d = setup_inputs()
    print(jax.jit(kernel)(*tuple(_d.values())))

</pallas_src>

<mosaic_0001>
#map = affine_map<(d0, d1) -> (0, 0)>
#map1 = affine_map<(d0, d1) -> (0)>
module attributes {stable_mosaic.version = 14 : i64} {
  func.func @_deg_body(%arg0: i32, %arg1: i32, %arg2: memref<32x25088xi32, #tpu.memory_space<hbm>>, %arg3: memref<50048xf32, #tpu.memory_space<hbm>>, %arg4: memref<2x50048xf32, #tpu.memory_space<hbm>>, %arg5: memref<25088xi32, #tpu.memory_space<vmem>>, %arg6: memref<25088xf32, #tpu.memory_space<vmem>>, %arg7: memref<50048xf32, #tpu.memory_space<vmem_shared>>, %arg8: memref<!tpu.dma_semaphore, #tpu.memory_space<semaphore_mem>>) attributes {dimension_semantics = [#tpu.dimension_semantics<core_parallel>, #tpu.dimension_semantics<subcore_parallel>], iteration_bounds = array<i64: 2, 16>, scalar_prefetch = 0 : i64, scratch_operands = 4 : i64, tpu.core_type = #tpu.core_type<sc_vector_subcore>, window_params = [{transform_indices = #map}, {transform_indices = #map1}, {transform_indices = #map}]} {
    %mul3A = arith.constant 16 : i32
    %mul3A_0 = arith.muli %arg0, %mul3A : i32
    %add3A = arith.addi %mul3A_0, %arg1 : i32
    %dma_start3A = arith.constant 0 : i32
    %dma_start3A_1 = tpu.memref_slice %arg2[%add3A, %dma_start3A] : memref<32x25088xi32, #tpu.memory_space<hbm>> -> memref<1x25088xi32, #tpu.memory_space<hbm>>
    %dma_start3A_2 = tpu.memref_squeeze %dma_start3A_1 : memref<1x25088xi32, #tpu.memory_space<hbm>> -> memref<25088xi32, #tpu.memory_space<hbm>>
    %dma_start3A_3 = arith.constant 0 : i32
    %dma_start3A_4 = tpu.memref_slice %arg2[%add3A, %dma_start3A_3] : memref<32x25088xi32, #tpu.memory_space<hbm>> -> memref<1x25088xi32, #tpu.memory_space<hbm>>
    %dma_start3A_5 = tpu.memref_squeeze %dma_start3A_4 : memref<1x25088xi32, #tpu.memory_space<hbm>> -> memref<25088xi32, #tpu.memory_space<hbm>>
    tpu.enqueue_dma source(%dma_start3A_5 : memref<25088xi32, #tpu.memory_space<hbm>>) target(%arg5 : memref<25088xi32, #tpu.memory_space<vmem>>) target_semaphore(%arg8 : memref<!tpu.dma_semaphore, #tpu.memory_space<semaphore_mem>>)
    %broadcast_in_dim3A = arith.constant 1.000000e+00 : f32
    %broadcast_in_dim3A_6 = vector.broadcast %broadcast_in_dim3A : f32 to vector<16xf32>
    %scan3A = arith.constant 0 : i32
    %scan3A_7 = arith.constant 0 : i32
    %scan3A_8 = arith.constant 1568 : i32
    %scan3A_9 = arith.addi %scan3A_7, %scan3A_8 : i32
    %scan3A_10 = arith.constant 1 : i32
    scf.for %scan3A_25 = %scan3A_7 to %scan3A_9 step %scan3A_10  : i32 {
      %mul3A_26 = arith.constant 16 : i32
      %mul3A_27 = arith.muli %scan3A_25, %mul3A_26 : i32
      %swap3A = arith.index_cast %mul3A_27 : i32 to index
      %swap3A_28 = tpu.vector_load %arg6[%swap3A] {strides = array<i32>} : memref<25088xf32, #tpu.memory_space<vmem>>, vector<16xf32>,
      %swap3A_29 = vector.shape_cast %swap3A_28 : vector<16xf32> to vector<16xf32>
      %swap3A_30 = vector.shape_cast %broadcast_in_dim3A_6 : vector<16xf32> to vector<16xf32>
      tpu.vector_store %arg6[%swap3A], %swap3A_30 {strides = array<i32>} : memref<25088xf32, #tpu.memory_space<vmem>>, vector<16xf32>,
    }
    %scan3A_11 = arith.constant 1568 : i32
    %eq3A = arith.constant 0 : i32
    %eq3A_12 = arith.cmpi eq, %arg1, %eq3A : i32
    %convert_element_type3A = arith.extui %eq3A_12 : i1 to i32
    %cond3A = arith.constant 0 : i32
    %cond3A_13 = arith.cmpi ne, %convert_element_type3A, %cond3A : i32
    scf.if %cond3A_13 {
      "tpu.region"() ({
        %run_scoped3A = tpu.sem_alloc : memref<!tpu.dma_semaphore, #tpu.memory_space<semaphore_mem>>
        tpu.enqueue_dma source(%arg3 : memref<50048xf32, #tpu.memory_space<hbm>>) target(%arg7 : memref<50048xf32, #tpu.memory_space<vmem_shared>>) target_semaphore(%run_scoped3A : memref<!tpu.dma_semaphore, #tpu.memory_space<semaphore_mem>>)
        tpu.wait_dma2 semaphore(%run_scoped3A : memref<!tpu.dma_semaphore, #tpu.memory_space<semaphore_mem>>) src(%arg3 : memref<50048xf32, #tpu.memory_space<hbm>>) dst(%arg7 : memref<50048xf32, #tpu.memory_space<vmem_shared>>)
        tpu.yield
      }) : () -> ()
    } else {
    }
    %dma_wait3A = arith.constant 0 : i32
    %dma_wait3A_14 = tpu.memref_slice %arg2[%add3A, %dma_wait3A] : memref<32x25088xi32, #tpu.memory_space<hbm>> -> memref<1x25088xi32, #tpu.memory_space<hbm>>
    %dma_wait3A_15 = tpu.memref_squeeze %dma_wait3A_14 : memref<1x25088xi32, #tpu.memory_space<hbm>> -> memref<25088xi32, #tpu.memory_space<hbm>>
    %dma_wait3A_16 = arith.constant 0 : i32
    %dma_wait3A_17 = tpu.memref_slice %arg2[%add3A, %dma_wait3A_16] : memref<32x25088xi32, #tpu.memory_space<hbm>> -> memref<1x25088xi32, #tpu.memory_space<hbm>>
    %dma_wait3A_18 = tpu.memref_squeeze %dma_wait3A_17 : memref<1x25088xi32, #tpu.memory_space<hbm>> -> memref<25088xi32, #tpu.memory_space<hbm>>
    tpu.wait_dma2 semaphore(%arg8 : memref<!tpu.dma_semaphore, #tpu.memory_space<semaphore_mem>>) src(%dma_wait3A_18 : memref<25088xi32, #tpu.memory_space<hbm>>) dst(%arg5 : memref<25088xi32, #tpu.memory_space<vmem>>)
    %barrier3A = arith.constant 0 : index
    tpu.barrier barrier_id(%barrier3A)
    "tpu.region"() ({
      %run_scoped3A = tpu.sem_alloc : memref<!tpu.dma_semaphore, #tpu.memory_space<semaphore_mem>>
      %dma_start3A_25 = arith.constant 0 : i32
      %dma_start3A_26 = tpu.memref_slice %arg7[%dma_start3A_25] : memref<50048xf32, #tpu.memory_space<vmem_shared>> -> memref<50048xf32, #tpu.memory_space<vmem_shared>>
      tpu.enqueue_indirect_dma source(%arg6 : memref<25088xf32, #tpu.memory_space<vmem>>) target(%dma_start3A_26 : memref<50048xf32, #tpu.memory_space<vmem_shared>>) offsets(%arg5 : memref<25088xi32, #tpu.memory_space<vmem>>) semaphore(%run_scoped3A : memref<!tpu.dma_semaphore, #tpu.memory_space<semaphore_mem>>) {add = true}
      %dma_wait3A_27 = arith.constant 0 : i32
      %dma_wait3A_28 = tpu.memref_slice %arg7[%dma_wait3A_27] : memref<50048xf32, #tpu.memory_space<vmem_shared>> -> memref<50048xf32, #tpu.memory_space<vmem_shared>>
      tpu.wait_indirect_dma semaphore(%run_scoped3A : memref<!tpu.dma_semaphore, #tpu.memory_space<semaphore_mem>>) src(%arg6 : memref<25088xf32, #tpu.memory_space<vmem>>) dst(%dma_wait3A_28 : memref<50048xf32, #tpu.memory_space<vmem_shared>>)
      tpu.yield
    }) : () -> ()
    %barrier3A_19 = arith.constant 0 : index
    tpu.barrier barrier_id(%barrier3A_19)
    %eq3A_20 = arith.constant 0 : i32
    %eq3A_21 = arith.cmpi eq, %arg1, %eq3A_20 : i32
    %convert_element_type3A_22 = arith.extui %eq3A_21 : i1 to i32
    %cond3A_23 = arith.constant 0 : i32
    %cond3A_24 = arith.cmpi ne, %convert_element_type3A_22, %cond3A_23 : i32
    scf.if %cond3A_24 {
      "tpu.region"() ({
        %run_scoped3A = tpu.sem_alloc : memref<!tpu.dma_semaphore, #tpu.memory_space<semaphore_mem>>
        %dma_start3A_25 = arith.constant 0 : i32
        %dma_start3A_26 = tpu.memref_slice %arg4[%arg0, %dma_start3A_25] : memref<2x50048xf32, #tpu.memory_space<hbm>> -> memref<1x50048xf32, #tpu.memory_space<hbm>>
        %dma_start3A_27 = tpu.memref_squeeze %dma_start3A_26 : memref<1x50048xf32, #tpu.memory_space<hbm>> -> memref<50048xf32, #tpu.memory_space<hbm>>
        tpu.enqueue_dma source(%arg7 : memref<50048xf32, #tpu.memory_space<vmem_shared>>) target(%dma_start3A_27 : memref<50048xf32, #tpu.memory_space<hbm>>) target_semaphore(%run_scoped3A : memref<!tpu.dma_semaphore, #tpu.memory_space<semaphore_mem>>)
        %dma_wait3A_28 = arith.constant 0 : i32
        %dma_wait3A_29 = tpu.memref_slice %arg4[%arg0, %dma_wait3A_28] : memref<2x50048xf32, #tpu.memory_space<hbm>> -> memref<1x50048xf32, #tpu.memory_space<hbm>>
        %dma_wait3A_30 = tpu.memref_squeeze %dma_wait3A_29 : memref<1x50048xf32, #tpu.memory_space<hbm>> -> memref<50048xf32, #tpu.memory_space<hbm>>
        tpu.wait_dma2 semaphore(%run_scoped3A : memref<!tpu.dma_semaphore, #tpu.memory_space<semaphore_mem>>) src(%arg7 : memref<50048xf32, #tpu.memory_space<vmem_shared>>) dst(%dma_wait3A_30 : memref<50048xf32, #tpu.memory_space<hbm>>)
        tpu.yield
      }) : () -> ()
    } else {
    }
    return
  }
}

#map = affine_map<(d0, d1) -> (0, 0)>
#map1 = affine_map<(d0, d1) -> (0)>
module attributes {stable_mosaic.version = 14 : i64} {
  func.func @body(%arg0: i32, %arg1: i32, %arg2: memref<32x25088xi32, #tpu.memory_space<hbm>>, %arg3: memref<32x25088xi32, #tpu.memory_space<hbm>>, %arg4: memref<50048xf32, #tpu.memory_space<hbm>>, %arg5: memref<50048xf32, #tpu.memory_space<hbm>>, %arg6: memref<50048xf32, #tpu.memory_space<hbm>>, %arg7: memref<2x50048xf32, #tpu.memory_space<hbm>>, %arg8: memref<2x50048xf32, #tpu.memory_space<hbm>>, %arg9: memref<25088xi32, #tpu.memory_space<vmem>>, %arg10: memref<25088xi32, #tpu.memory_space<vmem>>, %arg11: memref<25088xf32, #tpu.memory_space<vmem>>, %arg12: memref<25088xf32, #tpu.memory_space<vmem>>, %arg13: memref<50048xf32, #tpu.memory_space<vmem_shared>>, %arg14: memref<50048xf32, #tpu.memory_space<vmem_shared>>, %arg15: memref<!tpu.dma_semaphore, #tpu.memory_space<semaphore_mem>>, %arg16: memref<!tpu.dma_semaphore, #tpu.memory_space<semaphore_mem>>, %arg17: memref<!tpu.dma_semaphore, #tpu.memory_space<semaphore_mem>>, %arg18: memref<!tpu.dma_semaphore, #tpu.memory_space<semaphore_mem>>, %arg19: memref<!tpu.dma_semaphore, #tpu.memory_space<semaphore_mem>>, %arg20: memref<!tpu.dma_semaphore, #tpu.memory_space<semaphore_mem>>, %arg21: memref<!tpu.dma_semaphore, #tpu.memory_space<semaphore_mem>>, %arg22: memref<!tpu.dma_semaphore, #tpu.memory_space<semaphore_mem>>, %arg23: memref<!tpu.dma_semaphore, #tpu.memory_space<semaphore_mem>>, %arg24: memref<!tpu.dma_semaphore, #tpu.memory_space<semaphore_mem>>, %arg25: memref<!tpu.dma_semaphore, #tpu.memory_space<semaphore_mem>>, %arg26: memref<!tpu.dma_semaphore, #tpu.memory_space<semaphore_mem>>) attributes {dimension_semantics = [#tpu.dimension_semantics<core_parallel>, #tpu.dimension_semantics<subcore_parallel>], iteration_bounds = array<i64: 2, 16>, scalar_prefetch = 0 : i64, scratch_operands = 18 : i64, tpu.core_type = #tpu.core_type<sc_vector_subcore>, window_params = [{transform_indices = #map}, {transform_indices = #map}, {transform_indices = #map1}, {transform_indices = #map1}, {transform_indices = #map1}, {transform_indices = #map}, {transform_indices = #map}]} {
    %mul3A = arith.constant 16 : i32
    %mul3A_0 = arith.muli %arg0, %mul3A : i32
    %add3A = arith.addi %mul3A_0, %arg1 : i32
    %dma_start3A = arith.constant 0 : i32
    %dma_start3A_1 = tpu.memref_slice %arg2[%add3A, %dma_start3A] : memref<32x25088xi32, #tpu.memory_space<hbm>> -> memref<1x25088xi32, #tpu.memory_space<hbm>>
    %dma_start3A_2 = tpu.memref_squeeze %dma_start3A_1 : memref<1x25088xi32, #tpu.memory_space<hbm>> -> memref<25088xi32, #tpu.memory_space<hbm>>
    %dma_start3A_3 = arith.constant 0 : i32
    %dma_start3A_4 = tpu.memref_slice %arg2[%add3A, %dma_start3A_3] : memref<32x25088xi32, #tpu.memory_space<hbm>> -> memref<1x25088xi32, #tpu.memory_space<hbm>>
    %dma_start3A_5 = tpu.memref_squeeze %dma_start3A_4 : memref<1x25088xi32, #tpu.memory_space<hbm>> -> memref<25088xi32, #tpu.memory_space<hbm>>
    tpu.enqueue_dma source(%dma_start3A_5 : memref<25088xi32, #tpu.memory_space<hbm>>) target(%arg9 : memref<25088xi32, #tpu.memory_space<vmem>>) target_semaphore(%arg15 : memref<!tpu.dma_semaphore, #tpu.memory_space<semaphore_mem>>)
    %dma_start3A_6 = arith.constant 0 : i32
    %dma_start3A_7 = tpu.memref_slice %arg3[%add3A, %dma_start3A_6] : memref<32x25088xi32, #tpu.memory_space<hbm>> -> memref<1x25088xi32, #tpu.memory_space<hbm>>
    %dma_start3A_8 = tpu.memref_squeeze %dma_start3A_7 : memref<1x25088xi32, #tpu.memory_space<hbm>> -> memref<25088xi32, #tpu.memory_space<hbm>>
    %dma_start3A_9 = arith.constant 0 : i32
    %dma_start3A_10 = tpu.memref_slice %arg3[%add3A, %dma_start3A_9] : memref<32x25088xi32, #tpu.memory_space<hbm>> -> memref<1x25088xi32, #tpu.memory_space<hbm>>
    %dma_start3A_11 = tpu.memref_squeeze %dma_start3A_10 : memref<1x25088xi32, #tpu.memory_space<hbm>> -> memref<25088xi32, #tpu.memory_space<hbm>>
    tpu.enqueue_dma source(%dma_start3A_11 : memref<25088xi32, #tpu.memory_space<hbm>>) target(%arg10 : memref<25088xi32, #tpu.memory_space<vmem>>) target_semaphore(%arg16 : memref<!tpu.dma_semaphore, #tpu.memory_space<semaphore_mem>>)
    %eq3A = arith.constant 0 : i32
    %eq3A_12 = arith.cmpi eq, %arg1, %eq3A : i32
    %convert_element_type3A = arith.extui %eq3A_12 : i1 to i32
    %cond3A = arith.constant 0 : i32
    %cond3A_13 = arith.cmpi ne, %convert_element_type3A, %cond3A : i32
    scf.if %cond3A_13 {
      "tpu.region"() ({
        %run_scoped3A = tpu.sem_alloc : memref<!tpu.dma_semaphore, #tpu.memory_space<semaphore_mem>>
        tpu.enqueue_dma source(%arg4 : memref<50048xf32, #tpu.memory_space<hbm>>) target(%arg13 : memref<50048xf32, #tpu.memory_space<vmem_shared>>) target_semaphore(%run_scoped3A : memref<!tpu.dma_semaphore, #tpu.memory_space<semaphore_mem>>)
        tpu.wait_dma2 semaphore(%run_scoped3A : memref<!tpu.dma_semaphore, #tpu.memory_space<semaphore_mem>>) src(%arg4 : memref<50048xf32, #tpu.memory_space<hbm>>) dst(%arg13 : memref<50048xf32, #tpu.memory_space<vmem_shared>>)
        tpu.yield
      }) : () -> ()
      "tpu.region"() ({
        %run_scoped3A = tpu.sem_alloc : memref<!tpu.dma_semaphore, #tpu.memory_space<semaphore_mem>>
        tpu.enqueue_dma source(%arg4 : memref<50048xf32, #tpu.memory_space<hbm>>) target(%arg14 : memref<50048xf32, #tpu.memory_space<vmem_shared>>) target_semaphore(%run_scoped3A : memref<!tpu.dma_semaphore, #tpu.memory_space<semaphore_mem>>)
        tpu.wait_dma2 semaphore(%run_scoped3A : memref<!tpu.dma_semaphore, #tpu.memory_space<semaphore_mem>>) src(%arg4 : memref<50048xf32, #tpu.memory_space<hbm>>) dst(%arg14 : memref<50048xf32, #tpu.memory_space<vmem_shared>>)
        tpu.yield
      }) : () -> ()
    } else {
    }
    %dma_wait3A = arith.constant 0 : i32
    %dma_wait3A_14 = tpu.memref_slice %arg2[%add3A, %dma_wait3A] : memref<32x25088xi32, #tpu.memory_space<hbm>> -> memref<1x25088xi32, #tpu.memory_space<hbm>>
    %dma_wait3A_15 = tpu.memref_squeeze %dma_wait3A_14 : memref<1x25088xi32, #tpu.memory_space<hbm>> -> memref<25088xi32, #tpu.memory_space<hbm>>
    %dma_wait3A_16 = arith.constant 0 : i32
    %dma_wait3A_17 = tpu.memref_slice %arg2[%add3A, %dma_wait3A_16] : memref<32x25088xi32, #tpu.memory_space<hbm>> -> memref<1x25088xi32, #tpu.memory_space<hbm>>
    %dma_wait3A_18 = tpu.memref_squeeze %dma_wait3A_17 : memref<1x25088xi32, #tpu.memory_space<hbm>> -> memref<25088xi32, #tpu.memory_space<hbm>>
    tpu.wait_dma2 semaphore(%arg15 : memref<!tpu.dma_semaphore, #tpu.memory_space<semaphore_mem>>) src(%dma_wait3A_18 : memref<25088xi32, #tpu.memory_space<hbm>>) dst(%arg9 : memref<25088xi32, #tpu.memory_space<vmem>>)
    %dma_start3A_19 = arith.constant 0 : i32
    %dma_start3A_20 = tpu.memref_slice %arg11[%dma_start3A_19] : memref<25088xf32, #tpu.memory_space<vmem>> -> memref<6272xf32, #tpu.memory_space<vmem>>
    %dma_start3A_21 = arith.constant 0 : i32
    %dma_start3A_22 = tpu.memref_slice %arg9[%dma_start3A_21] : memref<25088xi32, #tpu.memory_space<vmem>> -> memref<6272xi32, #tpu.memory_space<vmem>>
    %dma_start3A_23 = arith.constant 0 : i32
    %dma_start3A_24 = tpu.memref_slice %arg5[%dma_start3A_23] : memref<50048xf32, #tpu.memory_space<hbm>> -> memref<50048xf32, #tpu.memory_space<hbm>>
    tpu.enqueue_indirect_dma source(%dma_start3A_24 : memref<50048xf32, #tpu.memory_space<hbm>>) target(%dma_start3A_20 : memref<6272xf32, #tpu.memory_space<vmem>>) offsets(%dma_start3A_22 : memref<6272xi32, #tpu.memory_space<vmem>>) semaphore(%arg17 : memref<!tpu.dma_semaphore, #tpu.memory_space<semaphore_mem>>)
    %dma_start3A_25 = arith.constant 0 : i32
    %dma_start3A_26 = tpu.memref_slice %arg12[%dma_start3A_25] : memref<25088xf32, #tpu.memory_space<vmem>> -> memref<6272xf32, #tpu.memory_space<vmem>>
    %dma_start3A_27 = arith.constant 0 : i32
    %dma_start3A_28 = tpu.memref_slice %arg9[%dma_start3A_27] : memref<25088xi32, #tpu.memory_space<vmem>> -> memref<6272xi32, #tpu.memory_space<vmem>>
    %dma_start3A_29 = arith.constant 0 : i32
    %dma_start3A_30 = tpu.memref_slice %arg6[%dma_start3A_29] : memref<50048xf32, #tpu.memory_space<hbm>> -> memref<50048xf32, #tpu.memory_space<hbm>>
    tpu.enqueue_indirect_dma source(%dma_start3A_30 : memref<50048xf32, #tpu.memory_space<hbm>>) target(%dma_start3A_26 : memref<6272xf32, #tpu.memory_space<vmem>>) offsets(%dma_start3A_28 : memref<6272xi32, #tpu.memory_space<vmem>>) semaphore(%arg21 : memref<!tpu.dma_semaphore, #tpu.memory_space<semaphore_mem>>)
    %dma_wait3A_31 = arith.constant 0 : i32
    %dma_wait3A_32 = tpu.memref_slice %arg3[%add3A, %dma_wait3A_31] : memref<32x25088xi32, #tpu.memory_space<hbm>> -> memref<1x25088xi32, #tpu.memory_space<hbm>>
    %dma_wait3A_33 = tpu.memref_squeeze %dma_wait3A_32 : memref<1x25088xi32, #tpu.memory_space<hbm>> -> memref<25088xi32, #tpu.memory_space<hbm>>
    %dma_wait3A_34 = arith.constant 0 : i32
    %dma_wait3A_35 = tpu.memref_slice %arg3[%add3A, %dma_wait3A_34] : memref<32x25088xi32, #tpu.memory_space<hbm>> -> memref<1x25088xi32, #tpu.memory_space<hbm>>
    %dma_wait3A_36 = tpu.memref_squeeze %dma_wait3A_35 : memref<1x25088xi32, #tpu.memory_space<hbm>> -> memref<25088xi32, #tpu.memory_space<hbm>>
    tpu.wait_dma2 semaphore(%arg16 : memref<!tpu.dma_semaphore, #tpu.memory_space<semaphore_mem>>) src(%dma_wait3A_36 : memref<25088xi32, #tpu.memory_space<hbm>>) dst(%arg10 : memref<25088xi32, #tpu.memory_space<vmem>>)
    %barrier3A = arith.constant 0 : index
    tpu.barrier barrier_id(%barrier3A)
    %dma_start3A_37 = arith.constant 6272 : i32
    %dma_start3A_38 = tpu.memref_slice %arg11[%dma_start3A_37] : memref<25088xf32, #tpu.memory_space<vmem>> -> memref<6272xf32, #tpu.memory_space<vmem>>
    %dma_start3A_39 = arith.constant 6272 : i32
    %dma_start3A_40 = tpu.memref_slice %arg9[%dma_start3A_39] : memref<25088xi32, #tpu.memory_space<vmem>> -> memref<6272xi32, #tpu.memory_space<vmem>>
    %dma_start3A_41 = arith.constant 0 : i32
    %dma_start3A_42 = tpu.memref_slice %arg5[%dma_start3A_41] : memref<50048xf32, #tpu.memory_space<hbm>> -> memref<50048xf32, #tpu.memory_space<hbm>>
    tpu.enqueue_indirect_dma source(%dma_start3A_42 : memref<50048xf32, #tpu.memory_space<hbm>>) target(%dma_start3A_38 : memref<6272xf32, #tpu.memory_space<vmem>>) offsets(%dma_start3A_40 : memref<6272xi32, #tpu.memory_space<vmem>>) semaphore(%arg18 : memref<!tpu.dma_semaphore, #tpu.memory_space<semaphore_mem>>)
    %dma_start3A_43 = arith.constant 6272 : i32
    %dma_start3A_44 = tpu.memref_slice %arg12[%dma_start3A_43] : memref<25088xf32, #tpu.memory_space<vmem>> -> memref<6272xf32, #tpu.memory_space<vmem>>
    %dma_start3A_45 = arith.constant 6272 : i32
    %dma_start3A_46 = tpu.memref_slice %arg9[%dma_start3A_45] : memref<25088xi32, #tpu.memory_space<vmem>> -> memref<6272xi32, #tpu.memory_space<vmem>>
    %dma_start3A_47 = arith.constant 0 : i32
    %dma_start3A_48 = tpu.memref_slice %arg6[%dma_start3A_47] : memref<50048xf32, #tpu.memory_space<hbm>> -> memref<50048xf32, #tpu.memory_space<hbm>>
    tpu.enqueue_indirect_dma source(%dma_start3A_48 : memref<50048xf32, #tpu.memory_space<hbm>>) target(%dma_start3A_44 : memref<6272xf32, #tpu.memory_space<vmem>>) offsets(%dma_start3A_46 : memref<6272xi32, #tpu.memory_space<vmem>>) semaphore(%arg22 : memref<!tpu.dma_semaphore, #tpu.memory_space<semaphore_mem>>)
    %dma_wait3A_49 = arith.constant 0 : i32
    %dma_wait3A_50 = tpu.memref_slice %arg11[%dma_wait3A_49] : memref<25088xf32, #tpu.memory_space<vmem>> -> memref<6272xf32, #tpu.memory_space<vmem>>
    %dma_wait3A_51 = arith.constant 0 : i32
    %dma_wait3A_52 = tpu.memref_slice %arg9[%dma_wait3A_51] : memref<25088xi32, #tpu.memory_space<vmem>> -> memref<6272xi32, #tpu.memory_space<vmem>>
    %dma_wait3A_53 = arith.constant 0 : i32
    %dma_wait3A_54 = tpu.memref_slice %arg5[%dma_wait3A_53] : memref<50048xf32, #tpu.memory_space<hbm>> -> memref<50048xf32, #tpu.memory_space<hbm>>
    tpu.wait_indirect_dma semaphore(%arg17 : memref<!tpu.dma_semaphore, #tpu.memory_space<semaphore_mem>>) src(%dma_wait3A_54 : memref<50048xf32, #tpu.memory_space<hbm>>) dst(%dma_wait3A_50 : memref<6272xf32, #tpu.memory_space<vmem>>)
    %dma_start3A_55 = arith.constant 0 : i32
    %dma_start3A_56 = tpu.memref_slice %arg11[%dma_start3A_55] : memref<25088xf32, #tpu.memory_space<vmem>> -> memref<6272xf32, #tpu.memory_space<vmem>>
    %dma_start3A_57 = arith.constant 0 : i32
    %dma_start3A_58 = tpu.memref_slice %arg10[%dma_start3A_57] : memref<25088xi32, #tpu.memory_space<vmem>> -> memref<6272xi32, #tpu.memory_space<vmem>>
    %dma_start3A_59 = arith.constant 0 : i32
    %dma_start3A_60 = tpu.memref_slice %arg13[%dma_start3A_59] : memref<50048xf32, #tpu.memory_space<vmem_shared>> -> memref<50048xf32, #tpu.memory_space<vmem_shared>>
    tpu.enqueue_indirect_dma source(%dma_start3A_56 : memref<6272xf32, #tpu.memory_space<vmem>>) target(%dma_start3A_60 : memref<50048xf32, #tpu.memory_space<vmem_shared>>) offsets(%dma_start3A_58 : memref<6272xi32, #tpu.memory_space<vmem>>) semaphore(%arg25 : memref<!tpu.dma_semaphore, #tpu.memory_space<semaphore_mem>>) {add = true}
    %dma_wait3A_61 = arith.constant 0 : i32
    %dma_wait3A_62 = tpu.memref_slice %arg12[%dma_wait3A_61] : memref<25088xf32, #tpu.memory_space<vmem>> -> memref<6272xf32, #tpu.memory_space<vmem>>
    %dma_wait3A_63 = arith.constant 0 : i32
    %dma_wait3A_64 = tpu.memref_slice %arg9[%dma_wait3A_63] : memref<25088xi32, #tpu.memory_space<vmem>> -> memref<6272xi32, #tpu.memory_space<vmem>>
    %dma_wait3A_65 = arith.constant 0 : i32
    %dma_wait3A_66 = tpu.memref_slice %arg6[%dma_wait3A_65] : memref<50048xf32, #tpu.memory_space<hbm>> -> memref<50048xf32, #tpu.memory_space<hbm>>
    tpu.wait_indirect_dma semaphore(%arg21 : memref<!tpu.dma_semaphore, #tpu.memory_space<semaphore_mem>>) src(%dma_wait3A_66 : memref<50048xf32, #tpu.memory_space<hbm>>) dst(%dma_wait3A_62 : memref<6272xf32, #tpu.memory_space<vmem>>)
    %dma_start3A_67 = arith.constant 0 : i32
    %dma_start3A_68 = tpu.memref_slice %arg12[%dma_start3A_67] : memref<25088xf32, #tpu.memory_space<vmem>> -> memref<6272xf32, #tpu.memory_space<vmem>>
    %dma_start3A_69 = arith.constant 0 : i32
    %dma_start3A_70 = tpu.memref_slice %arg10[%dma_start3A_69] : memref<25088xi32, #tpu.memory_space<vmem>> -> memref<6272xi32, #tpu.memory_space<vmem>>
    %dma_start3A_71 = arith.constant 0 : i32
    %dma_start3A_72 = tpu.memref_slice %arg14[%dma_start3A_71] : memref<50048xf32, #tpu.memory_space<vmem_shared>> -> memref<50048xf32, #tpu.memory_space<vmem_shared>>
    tpu.enqueue_indirect_dma source(%dma_start3A_68 : memref<6272xf32, #tpu.memory_space<vmem>>) target(%dma_start3A_72 : memref<50048xf32, #tpu.memory_space<vmem_shared>>) offsets(%dma_start3A_70 : memref<6272xi32, #tpu.memory_space<vmem>>) semaphore(%arg26 : memref<!tpu.dma_semaphore, #tpu.memory_space<semaphore_mem>>) {add = true}
    %dma_start3A_73 = arith.constant 12544 : i32
    %dma_start3A_74 = tpu.memref_slice %arg11[%dma_start3A_73] : memref<25088xf32, #tpu.memory_space<vmem>> -> memref<6272xf32, #tpu.memory_space<vmem>>
    %dma_start3A_75 = arith.constant 12544 : i32
    %dma_start3A_76 = tpu.memref_slice %arg9[%dma_start3A_75] : memref<25088xi32, #tpu.memory_space<vmem>> -> memref<6272xi32, #tpu.memory_space<vmem>>
    %dma_start3A_77 = arith.constant 0 : i32
    %dma_start3A_78 = tpu.memref_slice %arg5[%dma_start3A_77] : memref<50048xf32, #tpu.memory_space<hbm>> -> memref<50048xf32, #tpu.memory_space<hbm>>
    tpu.enqueue_indirect_dma source(%dma_start3A_78 : memref<50048xf32, #tpu.memory_space<hbm>>) target(%dma_start3A_74 : memref<6272xf32, #tpu.memory_space<vmem>>) offsets(%dma_start3A_76 : memref<6272xi32, #tpu.memory_space<vmem>>) semaphore(%arg19 : memref<!tpu.dma_semaphore, #tpu.memory_space<semaphore_mem>>)
    %dma_start3A_79 = arith.constant 12544 : i32
    %dma_start3A_80 = tpu.memref_slice %arg12[%dma_start3A_79] : memref<25088xf32, #tpu.memory_space<vmem>> -> memref<6272xf32, #tpu.memory_space<vmem>>
    %dma_start3A_81 = arith.constant 12544 : i32
    %dma_start3A_82 = tpu.memref_slice %arg9[%dma_start3A_81] : memref<25088xi32, #tpu.memory_space<vmem>> -> memref<6272xi32, #tpu.memory_space<vmem>>
    %dma_start3A_83 = arith.constant 0 : i32
    %dma_start3A_84 = tpu.memref_slice %arg6[%dma_start3A_83] : memref<50048xf32, #tpu.memory_space<hbm>> -> memref<50048xf32, #tpu.memory_space<hbm>>
    tpu.enqueue_indirect_dma source(%dma_start3A_84 : memref<50048xf32, #tpu.memory_space<hbm>>) target(%dma_start3A_80 : memref<6272xf32, #tpu.memory_space<vmem>>) offsets(%dma_start3A_82 : memref<6272xi32, #tpu.memory_space<vmem>>) semaphore(%arg23 : memref<!tpu.dma_semaphore, #tpu.memory_space<semaphore_mem>>)
    %dma_wait3A_85 = arith.constant 6272 : i32
    %dma_wait3A_86 = tpu.memref_slice %arg11[%dma_wait3A_85] : memref<25088xf32, #tpu.memory_space<vmem>> -> memref<6272xf32, #tpu.memory_space<vmem>>
    %dma_wait3A_87 = arith.constant 6272 : i32
    %dma_wait3A_88 = tpu.memref_slice %arg9[%dma_wait3A_87] : memref<25088xi32, #tpu.memory_space<vmem>> -> memref<6272xi32, #tpu.memory_space<vmem>>
    %dma_wait3A_89 = arith.constant 0 : i32
    %dma_wait3A_90 = tpu.memref_slice %arg5[%dma_wait3A_89] : memref<50048xf32, #tpu.memory_space<hbm>> -> memref<50048xf32, #tpu.memory_space<hbm>>
    tpu.wait_indirect_dma semaphore(%arg18 : memref<!tpu.dma_semaphore, #tpu.memory_space<semaphore_mem>>) src(%dma_wait3A_90 : memref<50048xf32, #tpu.memory_space<hbm>>) dst(%dma_wait3A_86 : memref<6272xf32, #tpu.memory_space<vmem>>)
    %dma_start3A_91 = arith.constant 6272 : i32
    %dma_start3A_92 = tpu.memref_slice %arg11[%dma_start3A_91] : memref<25088xf32, #tpu.memory_space<vmem>> -> memref<6272xf32, #tpu.memory_space<vmem>>
    %dma_start3A_93 = arith.constant 6272 : i32
    %dma_start3A_94 = tpu.memref_slice %arg10[%dma_start3A_93] : memref<25088xi32, #tpu.memory_space<vmem>> -> memref<6272xi32, #tpu.memory_space<vmem>>
    %dma_start3A_95 = arith.constant 0 : i32
    %dma_start3A_96 = tpu.memref_slice %arg13[%dma_start3A_95] : memref<50048xf32, #tpu.memory_space<vmem_shared>> -> memref<50048xf32, #tpu.memory_space<vmem_shared>>
    tpu.enqueue_indirect_dma source(%dma_start3A_92 : memref<6272xf32, #tpu.memory_space<vmem>>) target(%dma_start3A_96 : memref<50048xf32, #tpu.memory_space<vmem_shared>>) offsets(%dma_start3A_94 : memref<6272xi32, #tpu.memory_space<vmem>>) semaphore(%arg25 : memref<!tpu.dma_semaphore, #tpu.memory_space<semaphore_mem>>) {add = true}
    %dma_wait3A_97 = arith.constant 6272 : i32
    %dma_wait3A_98 = tpu.memref_slice %arg12[%dma_wait3A_97] : memref<25088xf32, #tpu.memory_space<vmem>> -> memref<6272xf32, #tpu.memory_space<vmem>>
    %dma_wait3A_99 = arith.constant 6272 : i32
    %dma_wait3A_100 = tpu.memref_slice %arg9[%dma_wait3A_99] : memref<25088xi32, #tpu.memory_space<vmem>> -> memref<6272xi32, #tpu.memory_space<vmem>>
    %dma_wait3A_101 = arith.constant 0 : i32
    %dma_wait3A_102 = tpu.memref_slice %arg6[%dma_wait3A_101] : memref<50048xf32, #tpu.memory_space<hbm>> -> memref<50048xf32, #tpu.memory_space<hbm>>
    tpu.wait_indirect_dma semaphore(%arg22 : memref<!tpu.dma_semaphore, #tpu.memory_space<semaphore_mem>>) src(%dma_wait3A_102 : memref<50048xf32, #tpu.memory_space<hbm>>) dst(%dma_wait3A_98 : memref<6272xf32, #tpu.memory_space<vmem>>)
    %dma_start3A_103 = arith.constant 6272 : i32
    %dma_start3A_104 = tpu.memref_slice %arg12[%dma_start3A_103] : memref<25088xf32, #tpu.memory_space<vmem>> -> memref<6272xf32, #tpu.memory_space<vmem>>
    %dma_start3A_105 = arith.constant 6272 : i32
    %dma_start3A_106 = tpu.memref_slice %arg10[%dma_start3A_105] : memref<25088xi32, #tpu.memory_space<vmem>> -> memref<6272xi32, #tpu.memory_space<vmem>>
    %dma_start3A_107 = arith.constant 0 : i32
    %dma_start3A_108 = tpu.memref_slice %arg14[%dma_start3A_107] : memref<50048xf32, #tpu.memory_space<vmem_shared>> -> memref<50048xf32, #tpu.memory_space<vmem_shared>>
    tpu.enqueue_indirect_dma source(%dma_start3A_104 : memref<6272xf32, #tpu.memory_space<vmem>>) target(%dma_start3A_108 : memref<50048xf32, #tpu.memory_space<vmem_shared>>) offsets(%dma_start3A_106 : memref<6272xi32, #tpu.memory_space<vmem>>) semaphore(%arg26 : memref<!tpu.dma_semaphore, #tpu.memory_space<semaphore_mem>>) {add = true}
    %dma_start3A_109 = arith.constant 18816 : i32
    %dma_start3A_110 = tpu.memref_slice %arg11[%dma_start3A_109] : memref<25088xf32, #tpu.memory_space<vmem>> -> memref<6272xf32, #tpu.memory_space<vmem>>
    %dma_start3A_111 = arith.constant 18816 : i32
    %dma_start3A_112 = tpu.memref_slice %arg9[%dma_start3A_111] : memref<25088xi32, #tpu.memory_space<vmem>> -> memref<6272xi32, #tpu.memory_space<vmem>>
    %dma_start3A_113 = arith.constant 0 : i32
    %dma_start3A_114 = tpu.memref_slice %arg5[%dma_start3A_113] : memref<50048xf32, #tpu.memory_space<hbm>> -> memref<50048xf32, #tpu.memory_space<hbm>>
    tpu.enqueue_indirect_dma source(%dma_start3A_114 : memref<50048xf32, #tpu.memory_space<hbm>>) target(%dma_start3A_110 : memref<6272xf32, #tpu.memory_space<vmem>>) offsets(%dma_start3A_112 : memref<6272xi32, #tpu.memory_space<vmem>>) semaphore(%arg20 : memref<!tpu.dma_semaphore, #tpu.memory_space<semaphore_mem>>)
    %dma_start3A_115 = arith.constant 18816 : i32
    %dma_start3A_116 = tpu.memref_slice %arg12[%dma_start3A_115] : memref<25088xf32, #tpu.memory_space<vmem>> -> memref<6272xf32, #tpu.memory_space<vmem>>
    %dma_start3A_117 = arith.constant 18816 : i32
    %dma_start3A_118 = tpu.memref_slice %arg9[%dma_start3A_117] : memref<25088xi32, #tpu.memory_space<vmem>> -> memref<6272xi32, #tpu.memory_space<vmem>>
    %dma_start3A_119 = arith.constant 0 : i32
    %dma_start3A_120 = tpu.memref_slice %arg6[%dma_start3A_119] : memref<50048xf32, #tpu.memory_space<hbm>> -> memref<50048xf32, #tpu.memory_space<hbm>>
    tpu.enqueue_indirect_dma source(%dma_start3A_120 : memref<50048xf32, #tpu.memory_space<hbm>>) target(%dma_start3A_116 : memref<6272xf32, #tpu.memory_space<vmem>>) offsets(%dma_start3A_118 : memref<6272xi32, #tpu.memory_space<vmem>>) semaphore(%arg24 : memref<!tpu.dma_semaphore, #tpu.memory_space<semaphore_mem>>)
    %dma_wait3A_121 = arith.constant 12544 : i32
    %dma_wait3A_122 = tpu.memref_slice %arg11[%dma_wait3A_121] : memref<25088xf32, #tpu.memory_space<vmem>> -> memref<6272xf32, #tpu.memory_space<vmem>>
    %dma_wait3A_123 = arith.constant 12544 : i32
    %dma_wait3A_124 = tpu.memref_slice %arg9[%dma_wait3A_123] : memref<25088xi32, #tpu.memory_space<vmem>> -> memref<6272xi32, #tpu.memory_space<vmem>>
    %dma_wait3A_125 = arith.constant 0 : i32
    %dma_wait3A_126 = tpu.memref_slice %arg5[%dma_wait3A_125] : memref<50048xf32, #tpu.memory_space<hbm>> -> memref<50048xf32, #tpu.memory_space<hbm>>
    tpu.wait_indirect_dma semaphore(%arg19 : memref<!tpu.dma_semaphore, #tpu.memory_space<semaphore_mem>>) src(%dma_wait3A_126 : memref<50048xf32, #tpu.memory_space<hbm>>) dst(%dma_wait3A_122 : memref<6272xf32, #tpu.memory_space<vmem>>)
    %dma_start3A_127 = arith.constant 12544 : i32
    %dma_start3A_128 = tpu.memref_slice %arg11[%dma_start3A_127] : memref<25088xf32, #tpu.memory_space<vmem>> -> memref<6272xf32, #tpu.memory_space<vmem>>
    %dma_start3A_129 = arith.constant 12544 : i32
    %dma_start3A_130 = tpu.memref_slice %arg10[%dma_start3A_129] : memref<25088xi32, #tpu.memory_space<vmem>> -> memref<6272xi32, #tpu.memory_space<vmem>>
    %dma_start3A_131 = arith.constant 0 : i32
    %dma_start3A_132 = tpu.memref_slice %arg13[%dma_start3A_131] : memref<50048xf32, #tpu.memory_space<vmem_shared>> -> memref<50048xf32, #tpu.memory_space<vmem_shared>>
    tpu.enqueue_indirect_dma source(%dma_start3A_128 : memref<6272xf32, #tpu.memory_space<vmem>>) target(%dma_start3A_132 : memref<50048xf32, #tpu.memory_space<vmem_shared>>) offsets(%dma_start3A_130 : memref<6272xi32, #tpu.memory_space<vmem>>) semaphore(%arg25 : memref<!tpu.dma_semaphore, #tpu.memory_space<semaphore_mem>>) {add = true}
    %dma_wait3A_133 = arith.constant 12544 : i32
    %dma_wait3A_134 = tpu.memref_slice %arg12[%dma_wait3A_133] : memref<25088xf32, #tpu.memory_space<vmem>> -> memref<6272xf32, #tpu.memory_space<vmem>>
    %dma_wait3A_135 = arith.constant 12544 : i32
    %dma_wait3A_136 = tpu.memref_slice %arg9[%dma_wait3A_135] : memref<25088xi32, #tpu.memory_space<vmem>> -> memref<6272xi32, #tpu.memory_space<vmem>>
    %dma_wait3A_137 = arith.constant 0 : i32
    %dma_wait3A_138 = tpu.memref_slice %arg6[%dma_wait3A_137] : memref<50048xf32, #tpu.memory_space<hbm>> -> memref<50048xf32, #tpu.memory_space<hbm>>
    tpu.wait_indirect_dma semaphore(%arg23 : memref<!tpu.dma_semaphore, #tpu.memory_space<semaphore_mem>>) src(%dma_wait3A_138 : memref<50048xf32, #tpu.memory_space<hbm>>) dst(%dma_wait3A_134 : memref<6272xf32, #tpu.memory_space<vmem>>)
    %dma_start3A_139 = arith.constant 12544 : i32
    %dma_start3A_140 = tpu.memref_slice %arg12[%dma_start3A_139] : memref<25088xf32, #tpu.memory_space<vmem>> -> memref<6272xf32, #tpu.memory_space<vmem>>
    %dma_start3A_141 = arith.constant 12544 : i32
    %dma_start3A_142 = tpu.memref_slice %arg10[%dma_start3A_141] : memref<25088xi32, #tpu.memory_space<vmem>> -> memref<6272xi32, #tpu.memory_space<vmem>>
    %dma_start3A_143 = arith.constant 0 : i32
    %dma_start3A_144 = tpu.memref_slice %arg14[%dma_start3A_143] : memref<50048xf32, #tpu.memory_space<vmem_shared>> -> memref<50048xf32, #tpu.memory_space<vmem_shared>>
    tpu.enqueue_indirect_dma source(%dma_start3A_140 : memref<6272xf32, #tpu.memory_space<vmem>>) target(%dma_start3A_144 : memref<50048xf32, #tpu.memory_space<vmem_shared>>) offsets(%dma_start3A_142 : memref<6272xi32, #tpu.memory_space<vmem>>) semaphore(%arg26 : memref<!tpu.dma_semaphore, #tpu.memory_space<semaphore_mem>>) {add = true}
    %dma_wait3A_145 = arith.constant 18816 : i32
    %dma_wait3A_146 = tpu.memref_slice %arg11[%dma_wait3A_145] : memref<25088xf32, #tpu.memory_space<vmem>> -> memref<6272xf32, #tpu.memory_space<vmem>>
    %dma_wait3A_147 = arith.constant 18816 : i32
    %dma_wait3A_148 = tpu.memref_slice %arg9[%dma_wait3A_147] : memref<25088xi32, #tpu.memory_space<vmem>> -> memref<6272xi32, #tpu.memory_space<vmem>>
    %dma_wait3A_149 = arith.constant 0 : i32
    %dma_wait3A_150 = tpu.memref_slice %arg5[%dma_wait3A_149] : memref<50048xf32, #tpu.memory_space<hbm>> -> memref<50048xf32, #tpu.memory_space<hbm>>
    tpu.wait_indirect_dma semaphore(%arg20 : memref<!tpu.dma_semaphore, #tpu.memory_space<semaphore_mem>>) src(%dma_wait3A_150 : memref<50048xf32, #tpu.memory_space<hbm>>) dst(%dma_wait3A_146 : memref<6272xf32, #tpu.memory_space<vmem>>)
    %dma_start3A_151 = arith.constant 18816 : i32
    %dma_start3A_152 = tpu.memref_slice %arg11[%dma_start3A_151] : memref<25088xf32, #tpu.memory_space<vmem>> -> memref<6272xf32, #tpu.memory_space<vmem>>
    %dma_start3A_153 = arith.constant 18816 : i32
    %dma_start3A_154 = tpu.memref_slice %arg10[%dma_start3A_153] : memref<25088xi32, #tpu.memory_space<vmem>> -> memref<6272xi32, #tpu.memory_space<vmem>>
    %dma_start3A_155 = arith.constant 0 : i32
    %dma_start3A_156 = tpu.memref_slice %arg13[%dma_start3A_155] : memref<50048xf32, #tpu.memory_space<vmem_shared>> -> memref<50048xf32, #tpu.memory_space<vmem_shared>>
    tpu.enqueue_indirect_dma source(%dma_start3A_152 : memref<6272xf32, #tpu.memory_space<vmem>>) target(%dma_start3A_156 : memref<50048xf32, #tpu.memory_space<vmem_shared>>) offsets(%dma_start3A_154 : memref<6272xi32, #tpu.memory_space<vmem>>) semaphore(%arg25 : memref<!tpu.dma_semaphore, #tpu.memory_space<semaphore_mem>>) {add = true}
    %dma_wait3A_157 = arith.constant 18816 : i32
    %dma_wait3A_158 = tpu.memref_slice %arg12[%dma_wait3A_157] : memref<25088xf32, #tpu.memory_space<vmem>> -> memref<6272xf32, #tpu.memory_space<vmem>>
    %dma_wait3A_159 = arith.constant 18816 : i32
    %dma_wait3A_160 = tpu.memref_slice %arg9[%dma_wait3A_159] : memref<25088xi32, #tpu.memory_space<vmem>> -> memref<6272xi32, #tpu.memory_space<vmem>>
    %dma_wait3A_161 = arith.constant 0 : i32
    %dma_wait3A_162 = tpu.memref_slice %arg6[%dma_wait3A_161] : memref<50048xf32, #tpu.memory_space<hbm>> -> memref<50048xf32, #tpu.memory_space<hbm>>
    tpu.wait_indirect_dma semaphore(%arg24 : memref<!tpu.dma_semaphore, #tpu.memory_space<semaphore_mem>>) src(%dma_wait3A_162 : memref<50048xf32, #tpu.memory_space<hbm>>) dst(%dma_wait3A_158 : memref<6272xf32, #tpu.memory_space<vmem>>)
    %dma_start3A_163 = arith.constant 18816 : i32
    %dma_start3A_164 = tpu.memref_slice %arg12[%dma_start3A_163] : memref<25088xf32, #tpu.memory_space<vmem>> -> memref<6272xf32, #tpu.memory_space<vmem>>
    %dma_start3A_165 = arith.constant 18816 : i32
    %dma_start3A_166 = tpu.memref_slice %arg10[%dma_start3A_165] : memref<25088xi32, #tpu.memory_space<vmem>> -> memref<6272xi32, #tpu.memory_space<vmem>>
    %dma_start3A_167 = arith.constant 0 : i32
    %dma_start3A_168 = tpu.memref_slice %arg14[%dma_start3A_167] : memref<50048xf32, #tpu.memory_space<vmem_shared>> -> memref<50048xf32, #tpu.memory_space<vmem_shared>>
    tpu.enqueue_indirect_dma source(%dma_start3A_164 : memref<6272xf32, #tpu.memory_space<vmem>>) target(%dma_start3A_168 : memref<50048xf32, #tpu.memory_space<vmem_shared>>) offsets(%dma_start3A_166 : memref<6272xi32, #tpu.memory_space<vmem>>) semaphore(%arg26 : memref<!tpu.dma_semaphore, #tpu.memory_space<semaphore_mem>>) {add = true}
    %dma_wait3A_169 = arith.constant 0 : i32
    %dma_wait3A_170 = tpu.memref_slice %arg11[%dma_wait3A_169] : memref<25088xf32, #tpu.memory_space<vmem>> -> memref<6272xf32, #tpu.memory_space<vmem>>
    %dma_wait3A_171 = arith.constant 0 : i32
    %dma_wait3A_172 = tpu.memref_slice %arg10[%dma_wait3A_171] : memref<25088xi32, #tpu.memory_space<vmem>> -> memref<6272xi32, #tpu.memory_space<vmem>>
    %dma_wait3A_173 = arith.constant 0 : i32
    %dma_wait3A_174 = tpu.memref_slice %arg13[%dma_wait3A_173] : memref<50048xf32, #tpu.memory_space<vmem_shared>> -> memref<50048xf32, #tpu.memory_space<vmem_shared>>
    tpu.wait_indirect_dma semaphore(%arg25 : memref<!tpu.dma_semaphore, #tpu.memory_space<semaphore_mem>>) src(%dma_wait3A_170 : memref<6272xf32, #tpu.memory_space<vmem>>) dst(%dma_wait3A_174 : memref<50048xf32, #tpu.memory_space<vmem_shared>>)
    %dma_wait3A_175 = arith.constant 6272 : i32
    %dma_wait3A_176 = tpu.memref_slice %arg11[%dma_wait3A_175] : memref<25088xf32, #tpu.memory_space<vmem>> -> memref<6272xf32, #tpu.memory_space<vmem>>
    %dma_wait3A_177 = arith.constant 6272 : i32
    %dma_wait3A_178 = tpu.memref_slice %arg10[%dma_wait3A_177] : memref<25088xi32, #tpu.memory_space<vmem>> -> memref<6272xi32, #tpu.memory_space<vmem>>
    %dma_wait3A_179 = arith.constant 0 : i32
    %dma_wait3A_180 = tpu.memref_slice %arg13[%dma_wait3A_179] : memref<50048xf32, #tpu.memory_space<vmem_shared>> -> memref<50048xf32, #tpu.memory_space<vmem_shared>>
    tpu.wait_indirect_dma semaphore(%arg25 : memref<!tpu.dma_semaphore, #tpu.memory_space<semaphore_mem>>) src(%dma_wait3A_176 : memref<6272xf32, #tpu.memory_space<vmem>>) dst(%dma_wait3A_180 : memref<50048xf32, #tpu.memory_space<vmem_shared>>)
    %dma_wait3A_181 = arith.constant 12544 : i32
    %dma_wait3A_182 = tpu.memref_slice %arg11[%dma_wait3A_181] : memref<25088xf32, #tpu.memory_space<vmem>> -> memref<6272xf32, #tpu.memory_space<vmem>>
    %dma_wait3A_183 = arith.constant 12544 : i32
    %dma_wait3A_184 = tpu.memref_slice %arg10[%dma_wait3A_183] : memref<25088xi32, #tpu.memory_space<vmem>> -> memref<6272xi32, #tpu.memory_space<vmem>>
    %dma_wait3A_185 = arith.constant 0 : i32
    %dma_wait3A_186 = tpu.memref_slice %arg13[%dma_wait3A_185] : memref<50048xf32, #tpu.memory_space<vmem_shared>> -> memref<50048xf32, #tpu.memory_space<vmem_shared>>
    tpu.wait_indirect_dma semaphore(%arg25 : memref<!tpu.dma_semaphore, #tpu.memory_space<semaphore_mem>>) src(%dma_wait3A_182 : memref<6272xf32, #tpu.memory_space<vmem>>) dst(%dma_wait3A_186 : memref<50048xf32, #tpu.memory_space<vmem_shared>>)
    %dma_wait3A_187 = arith.constant 18816 : i32
    %dma_wait3A_188 = tpu.memref_slice %arg11[%dma_wait3A_187] : memref<25088xf32, #tpu.memory_space<vmem>> -> memref<6272xf32, #tpu.memory_space<vmem>>
    %dma_wait3A_189 = arith.constant 18816 : i32
    %dma_wait3A_190 = tpu.memref_slice %arg10[%dma_wait3A_189] : memref<25088xi32, #tpu.memory_space<vmem>> -> memref<6272xi32, #tpu.memory_space<vmem>>
    %dma_wait3A_191 = arith.constant 0 : i32
    %dma_wait3A_192 = tpu.memref_slice %arg13[%dma_wait3A_191] : memref<50048xf32, #tpu.memory_space<vmem_shared>> -> memref<50048xf32, #tpu.memory_space<vmem_shared>>
    tpu.wait_indirect_dma semaphore(%arg25 : memref<!tpu.dma_semaphore, #tpu.memory_space<semaphore_mem>>) src(%dma_wait3A_188 : memref<6272xf32, #tpu.memory_space<vmem>>) dst(%dma_wait3A_192 : memref<50048xf32, #tpu.memory_space<vmem_shared>>)
    %dma_wait3A_193 = arith.constant 0 : i32
    %dma_wait3A_194 = tpu.memref_slice %arg12[%dma_wait3A_193] : memref<25088xf32, #tpu.memory_space<vmem>> -> memref<6272xf32, #tpu.memory_space<vmem>>
    %dma_wait3A_195 = arith.constant 0 : i32
    %dma_wait3A_196 = tpu.memref_slice %arg10[%dma_wait3A_195] : memref<25088xi32, #tpu.memory_space<vmem>> -> memref<6272xi32, #tpu.memory_space<vmem>>
    %dma_wait3A_197 = arith.constant 0 : i32
    %dma_wait3A_198 = tpu.memref_slice %arg14[%dma_wait3A_197] : memref<50048xf32, #tpu.memory_space<vmem_shared>> -> memref<50048xf32, #tpu.memory_space<vmem_shared>>
    tpu.wait_indirect_dma semaphore(%arg26 : memref<!tpu.dma_semaphore, #tpu.memory_space<semaphore_mem>>) src(%dma_wait3A_194 : memref<6272xf32, #tpu.memory_space<vmem>>) dst(%dma_wait3A_198 : memref<50048xf32, #tpu.memory_space<vmem_shared>>)
    %dma_wait3A_199 = arith.constant 6272 : i32
    %dma_wait3A_200 = tpu.memref_slice %arg12[%dma_wait3A_199] : memref<25088xf32, #tpu.memory_space<vmem>> -> memref<6272xf32, #tpu.memory_space<vmem>>
    %dma_wait3A_201 = arith.constant 6272 : i32
    %dma_wait3A_202 = tpu.memref_slice %arg10[%dma_wait3A_201] : memref<25088xi32, #tpu.memory_space<vmem>> -> memref<6272xi32, #tpu.memory_space<vmem>>
    %dma_wait3A_203 = arith.constant 0 : i32
    %dma_wait3A_204 = tpu.memref_slice %arg14[%dma_wait3A_203] : memref<50048xf32, #tpu.memory_space<vmem_shared>> -> memref<50048xf32, #tpu.memory_space<vmem_shared>>
    tpu.wait_indirect_dma semaphore(%arg26 : memref<!tpu.dma_semaphore, #tpu.memory_space<semaphore_mem>>) src(%dma_wait3A_200 : memref<6272xf32, #tpu.memory_space<vmem>>) dst(%dma_wait3A_204 : memref<50048xf32, #tpu.memory_space<vmem_shared>>)
    %dma_wait3A_205 = arith.constant 12544 : i32
    %dma_wait3A_206 = tpu.memref_slice %arg12[%dma_wait3A_205] : memref<25088xf32, #tpu.memory_space<vmem>> -> memref<6272xf32, #tpu.memory_space<vmem>>
    %dma_wait3A_207 = arith.constant 12544 : i32
    %dma_wait3A_208 = tpu.memref_slice %arg10[%dma_wait3A_207] : memref<25088xi32, #tpu.memory_space<vmem>> -> memref<6272xi32, #tpu.memory_space<vmem>>
    %dma_wait3A_209 = arith.constant 0 : i32
    %dma_wait3A_210 = tpu.memref_slice %arg14[%dma_wait3A_209] : memref<50048xf32, #tpu.memory_space<vmem_shared>> -> memref<50048xf32, #tpu.memory_space<vmem_shared>>
    tpu.wait_indirect_dma semaphore(%arg26 : memref<!tpu.dma_semaphore, #tpu.memory_space<semaphore_mem>>) src(%dma_wait3A_206 : memref<6272xf32, #tpu.memory_space<vmem>>) dst(%dma_wait3A_210 : memref<50048xf32, #tpu.memory_space<vmem_shared>>)
    %dma_wait3A_211 = arith.constant 18816 : i32
    %dma_wait3A_212 = tpu.memref_slice %arg12[%dma_wait3A_211] : memref<25088xf32, #tpu.memory_space<vmem>> -> memref<6272xf32, #tpu.memory_space<vmem>>
    %dma_wait3A_213 = arith.constant 18816 : i32
    %dma_wait3A_214 = tpu.memref_slice %arg10[%dma_wait3A_213] : memref<25088xi32, #tpu.memory_space<vmem>> -> memref<6272xi32, #tpu.memory_space<vmem>>
    %dma_wait3A_215 = arith.constant 0 : i32
    %dma_wait3A_216 = tpu.memref_slice %arg14[%dma_wait3A_215] : memref<50048xf32, #tpu.memory_space<vmem_shared>> -> memref<50048xf32, #tpu.memory_space<vmem_shared>>
    tpu.wait_indirect_dma semaphore(%arg26 : memref<!tpu.dma_semaphore, #tpu.memory_space<semaphore_mem>>) src(%dma_wait3A_212 : memref<6272xf32, #tpu.memory_space<vmem>>) dst(%dma_wait3A_216 : memref<50048xf32, #tpu.memory_space<vmem_shared>>)
    %barrier3A_217 = arith.constant 0 : index
    tpu.barrier barrier_id(%barrier3A_217)
    %eq3A_218 = arith.constant 0 : i32
    %eq3A_219 = arith.cmpi eq, %arg1, %eq3A_218 : i32
    %convert_element_type3A_220 = arith.extui %eq3A_219 : i1 to i32
    %cond3A_221 = arith.constant 0 : i32
    %cond3A_222 = arith.cmpi ne, %convert_element_type3A_220, %cond3A_221 : i32
    scf.if %cond3A_222 {
      "tpu.region"() ({
        %run_scoped3A = tpu.sem_alloc : memref<!tpu.dma_semaphore, #tpu.memory_space<semaphore_mem>>
        %dma_start3A_223 = arith.constant 0 : i32
        %dma_start3A_224 = tpu.memref_slice %arg7[%arg0, %dma_start3A_223] : memref<2x50048xf32, #tpu.memory_space<hbm>> -> memref<1x50048xf32, #tpu.memory_space<hbm>>
        %dma_start3A_225 = tpu.memref_squeeze %dma_start3A_224 : memref<1x50048xf32, #tpu.memory_space<hbm>> -> memref<50048xf32, #tpu.memory_space<hbm>>
        tpu.enqueue_dma source(%arg13 : memref<50048xf32, #tpu.memory_space<vmem_shared>>) target(%dma_start3A_225 : memref<50048xf32, #tpu.memory_space<hbm>>) target_semaphore(%run_scoped3A : memref<!tpu.dma_semaphore, #tpu.memory_space<semaphore_mem>>)
        %dma_wait3A_226 = arith.constant 0 : i32
        %dma_wait3A_227 = tpu.memref_slice %arg7[%arg0, %dma_wait3A_226] : memref<2x50048xf32, #tpu.memory_space<hbm>> -> memref<1x50048xf32, #tpu.memory_space<hbm>>
        %dma_wait3A_228 = tpu.memref_squeeze %dma_wait3A_227 : memref<1x50048xf32, #tpu.memory_space<hbm>> -> memref<50048xf32, #tpu.memory_space<hbm>>
        tpu.wait_dma2 semaphore(%run_scoped3A : memref<!tpu.dma_semaphore, #tpu.memory_space<semaphore_mem>>) src(%arg13 : memref<50048xf32, #tpu.memory_space<vmem_shared>>) dst(%dma_wait3A_228 : memref<50048xf32, #tpu.memory_space<hbm>>)
        tpu.yield
      }) : () -> ()
      "tpu.region"() ({
        %run_scoped3A = tpu.sem_alloc : memref<!tpu.dma_semaphore, #tpu.memory_space<semaphore_mem>>
        %dma_start3A_223 = arith.constant 0 : i32
        %dma_start3A_224 = tpu.memref_slice %arg8[%arg0, %dma_start3A_223] : memref<2x50048xf32, #tpu.memory_space<hbm>> -> memref<1x50048xf32, #tpu.memory_space<hbm>>
        %dma_start3A_225 = tpu.memref_squeeze %dma_start3A_224 : memref<1x50048xf32, #tpu.memory_space<hbm>> -> memref<50048xf32, #tpu.memory_space<hbm>>
        tpu.enqueue_dma source(%arg14 : memref<50048xf32, #tpu.memory_space<vmem_shared>>) target(%dma_start3A_225 : memref<50048xf32, #tpu.memory_space<hbm>>) target_semaphore(%run_scoped3A : memref<!tpu.dma_semaphore, #tpu.memory_space<semaphore_mem>>)
        %dma_wait3A_226 = arith.constant 0 : i32
        %dma_wait3A_227 = tpu.memref_slice %arg8[%arg0, %dma_wait3A_226] : memref<2x50048xf32, #tpu.memory_space<hbm>> -> memref<1x50048xf32, #tpu.memory_space<hbm>>
        %dma_wait3A_228 = tpu.memref_squeeze %dma_wait3A_227 : memref<1x50048xf32, #tpu.memory_space<hbm>> -> memref<50048xf32, #tpu.memory_space<hbm>>
        tpu.wait_dma2 semaphore(%run_scoped3A : memref<!tpu.dma_semaphore, #tpu.memory_space<semaphore_mem>>) src(%arg14 : memref<50048xf32, #tpu.memory_space<vmem_shared>>) dst(%dma_wait3A_228 : memref<50048xf32, #tpu.memory_space<hbm>>)
        tpu.yield
      }) : () -> ()
    } else {
    }
    return
  }
}

#map = affine_map<(d0, d1) -> (0, 0)>
#map1 = affine_map<(d0, d1) -> (0)>
module attributes {stable_mosaic.version = 14 : i64} {
  func.func @body(%arg0: i32, %arg1: i32, %arg2: memref<32x25088xi32, #tpu.memory_space<hbm>>, %arg3: memref<32x25088xi32, #tpu.memory_space<hbm>>, %arg4: memref<50048xf32, #tpu.memory_space<hbm>>, %arg5: memref<50048xf32, #tpu.memory_space<hbm>>, %arg6: memref<2x50048xf32, #tpu.memory_space<hbm>>, %arg7: memref<25088xi32, #tpu.memory_space<vmem>>, %arg8: memref<25088xi32, #tpu.memory_space<vmem>>, %arg9: memref<25088xf32, #tpu.memory_space<vmem>>, %arg10: memref<50048xf32, #tpu.memory_space<vmem_shared>>, %arg11: memref<!tpu.dma_semaphore, #tpu.memory_space<semaphore_mem>>, %arg12: memref<!tpu.dma_semaphore, #tpu.memory_space<semaphore_mem>>, %arg13: memref<!tpu.dma_semaphore, #tpu.memory_space<semaphore_mem>>, %arg14: memref<!tpu.dma_semaphore, #tpu.memory_space<semaphore_mem>>, %arg15: memref<!tpu.dma_semaphore, #tpu.memory_space<semaphore_mem>>, %arg16: memref<!tpu.dma_semaphore, #tpu.memory_space<semaphore_mem>>, %arg17: memref<!tpu.dma_semaphore, #tpu.memory_space<semaphore_mem>>) attributes {dimension_semantics = [#tpu.dimension_semantics<core_parallel>, #tpu.dimension_semantics<subcore_parallel>], iteration_bounds = array<i64: 2, 16>, scalar_prefetch = 0 : i64, scratch_operands = 11 : i64, tpu.core_type = #tpu.core_type<sc_vector_subcore>, window_params = [{transform_indices = #map}, {transform_indices = #map}, {transform_indices = #map1}, {transform_indices = #map1}, {transform_indices = #map}]} {
    %mul3A = arith.constant 16 : i32
    %mul3A_0 = arith.muli %arg0, %mul3A : i32
    %add3A = arith.addi %mul3A_0, %arg1 : i32
    %dma_start3A = arith.constant 0 : i32
    %dma_start3A_1 = tpu.memref_slice %arg2[%add3A, %dma_start3A] : memref<32x25088xi32, #tpu.memory_space<hbm>> -> memref<1x25088xi32, #tpu.memory_space<hbm>>
    %dma_start3A_2 = tpu.memref_squeeze %dma_start3A_1 : memref<1x25088xi32, #tpu.memory_space<hbm>> -> memref<25088xi32, #tpu.memory_space<hbm>>
    %dma_start3A_3 = arith.constant 0 : i32
    %dma_start3A_4 = tpu.memref_slice %arg2[%add3A, %dma_start3A_3] : memref<32x25088xi32, #tpu.memory_space<hbm>> -> memref<1x25088xi32, #tpu.memory_space<hbm>>
    %dma_start3A_5 = tpu.memref_squeeze %dma_start3A_4 : memref<1x25088xi32, #tpu.memory_space<hbm>> -> memref<25088xi32, #tpu.memory_space<hbm>>
    tpu.enqueue_dma source(%dma_start3A_5 : memref<25088xi32, #tpu.memory_space<hbm>>) target(%arg7 : memref<25088xi32, #tpu.memory_space<vmem>>) target_semaphore(%arg11 : memref<!tpu.dma_semaphore, #tpu.memory_space<semaphore_mem>>)
    %dma_start3A_6 = arith.constant 0 : i32
    %dma_start3A_7 = tpu.memref_slice %arg3[%add3A, %dma_start3A_6] : memref<32x25088xi32, #tpu.memory_space<hbm>> -> memref<1x25088xi32, #tpu.memory_space<hbm>>
    %dma_start3A_8 = tpu.memref_squeeze %dma_start3A_7 : memref<1x25088xi32, #tpu.memory_space<hbm>> -> memref<25088xi32, #tpu.memory_space<hbm>>
    %dma_start3A_9 = arith.constant 0 : i32
    %dma_start3A_10 = tpu.memref_slice %arg3[%add3A, %dma_start3A_9] : memref<32x25088xi32, #tpu.memory_space<hbm>> -> memref<1x25088xi32, #tpu.memory_space<hbm>>
    %dma_start3A_11 = tpu.memref_squeeze %dma_start3A_10 : memref<1x25088xi32, #tpu.memory_space<hbm>> -> memref<25088xi32, #tpu.memory_space<hbm>>
    tpu.enqueue_dma source(%dma_start3A_11 : memref<25088xi32, #tpu.memory_space<hbm>>) target(%arg8 : memref<25088xi32, #tpu.memory_space<vmem>>) target_semaphore(%arg12 : memref<!tpu.dma_semaphore, #tpu.memory_space<semaphore_mem>>)
    %eq3A = arith.constant 0 : i32
    %eq3A_12 = arith.cmpi eq, %arg1, %eq3A : i32
    %convert_element_type3A = arith.extui %eq3A_12 : i1 to i32
    %cond3A = arith.constant 0 : i32
    %cond3A_13 = arith.cmpi ne, %convert_element_type3A, %cond3A : i32
    scf.if %cond3A_13 {
      "tpu.region"() ({
        %run_scoped3A = tpu.sem_alloc : memref<!tpu.dma_semaphore, #tpu.memory_space<semaphore_mem>>
        tpu.enqueue_dma source(%arg4 : memref<50048xf32, #tpu.memory_space<hbm>>) target(%arg10 : memref<50048xf32, #tpu.memory_space<vmem_shared>>) target_semaphore(%run_scoped3A : memref<!tpu.dma_semaphore, #tpu.memory_space<semaphore_mem>>)
        tpu.wait_dma2 semaphore(%run_scoped3A : memref<!tpu.dma_semaphore, #tpu.memory_space<semaphore_mem>>) src(%arg4 : memref<50048xf32, #tpu.memory_space<hbm>>) dst(%arg10 : memref<50048xf32, #tpu.memory_space<vmem_shared>>)
        tpu.yield
      }) : () -> ()
    } else {
    }
    %dma_wait3A = arith.constant 0 : i32
    %dma_wait3A_14 = tpu.memref_slice %arg2[%add3A, %dma_wait3A] : memref<32x25088xi32, #tpu.memory_space<hbm>> -> memref<1x25088xi32, #tpu.memory_space<hbm>>
    %dma_wait3A_15 = tpu.memref_squeeze %dma_wait3A_14 : memref<1x25088xi32, #tpu.memory_space<hbm>> -> memref<25088xi32, #tpu.memory_space<hbm>>
    %dma_wait3A_16 = arith.constant 0 : i32
    %dma_wait3A_17 = tpu.memref_slice %arg2[%add3A, %dma_wait3A_16] : memref<32x25088xi32, #tpu.memory_space<hbm>> -> memref<1x25088xi32, #tpu.memory_space<hbm>>
    %dma_wait3A_18 = tpu.memref_squeeze %dma_wait3A_17 : memref<1x25088xi32, #tpu.memory_space<hbm>> -> memref<25088xi32, #tpu.memory_space<hbm>>
    tpu.wait_dma2 semaphore(%arg11 : memref<!tpu.dma_semaphore, #tpu.memory_space<semaphore_mem>>) src(%dma_wait3A_18 : memref<25088xi32, #tpu.memory_space<hbm>>) dst(%arg7 : memref<25088xi32, #tpu.memory_space<vmem>>)
    %dma_start3A_19 = arith.constant 0 : i32
    %dma_start3A_20 = tpu.memref_slice %arg9[%dma_start3A_19] : memref<25088xf32, #tpu.memory_space<vmem>> -> memref<6272xf32, #tpu.memory_space<vmem>>
    %dma_start3A_21 = arith.constant 0 : i32
    %dma_start3A_22 = tpu.memref_slice %arg7[%dma_start3A_21] : memref<25088xi32, #tpu.memory_space<vmem>> -> memref<6272xi32, #tpu.memory_space<vmem>>
    %dma_start3A_23 = arith.constant 0 : i32
    %dma_start3A_24 = tpu.memref_slice %arg5[%dma_start3A_23] : memref<50048xf32, #tpu.memory_space<hbm>> -> memref<50048xf32, #tpu.memory_space<hbm>>
    tpu.enqueue_indirect_dma source(%dma_start3A_24 : memref<50048xf32, #tpu.memory_space<hbm>>) target(%dma_start3A_20 : memref<6272xf32, #tpu.memory_space<vmem>>) offsets(%dma_start3A_22 : memref<6272xi32, #tpu.memory_space<vmem>>) semaphore(%arg13 : memref<!tpu.dma_semaphore, #tpu.memory_space<semaphore_mem>>)
    %dma_wait3A_25 = arith.constant 0 : i32
    %dma_wait3A_26 = tpu.memref_slice %arg3[%add3A, %dma_wait3A_25] : memref<32x25088xi32, #tpu.memory_space<hbm>> -> memref<1x25088xi32, #tpu.memory_space<hbm>>
    %dma_wait3A_27 = tpu.memref_squeeze %dma_wait3A_26 : memref<1x25088xi32, #tpu.memory_space<hbm>> -> memref<25088xi32, #tpu.memory_space<hbm>>
    %dma_wait3A_28 = arith.constant 0 : i32
    %dma_wait3A_29 = tpu.memref_slice %arg3[%add3A, %dma_wait3A_28] : memref<32x25088xi32, #tpu.memory_space<hbm>> -> memref<1x25088xi32, #tpu.memory_space<hbm>>
    %dma_wait3A_30 = tpu.memref_squeeze %dma_wait3A_29 : memref<1x25088xi32, #tpu.memory_space<hbm>> -> memref<25088xi32, #tpu.memory_space<hbm>>
    tpu.wait_dma2 semaphore(%arg12 : memref<!tpu.dma_semaphore, #tpu.memory_space<semaphore_mem>>) src(%dma_wait3A_30 : memref<25088xi32, #tpu.memory_space<hbm>>) dst(%arg8 : memref<25088xi32, #tpu.memory_space<vmem>>)
    %barrier3A = arith.constant 0 : index
    tpu.barrier barrier_id(%barrier3A)
    %dma_start3A_31 = arith.constant 6272 : i32
    %dma_start3A_32 = tpu.memref_slice %arg9[%dma_start3A_31] : memref<25088xf32, #tpu.memory_space<vmem>> -> memref<6272xf32, #tpu.memory_space<vmem>>
    %dma_start3A_33 = arith.constant 6272 : i32
    %dma_start3A_34 = tpu.memref_slice %arg7[%dma_start3A_33] : memref<25088xi32, #tpu.memory_space<vmem>> -> memref<6272xi32, #tpu.memory_space<vmem>>
    %dma_start3A_35 = arith.constant 0 : i32
    %dma_start3A_36 = tpu.memref_slice %arg5[%dma_start3A_35] : memref<50048xf32, #tpu.memory_space<hbm>> -> memref<50048xf32, #tpu.memory_space<hbm>>
    tpu.enqueue_indirect_dma source(%dma_start3A_36 : memref<50048xf32, #tpu.memory_space<hbm>>) target(%dma_start3A_32 : memref<6272xf32, #tpu.memory_space<vmem>>) offsets(%dma_start3A_34 : memref<6272xi32, #tpu.memory_space<vmem>>) semaphore(%arg14 : memref<!tpu.dma_semaphore, #tpu.memory_space<semaphore_mem>>)
    %dma_wait3A_37 = arith.constant 0 : i32
    %dma_wait3A_38 = tpu.memref_slice %arg9[%dma_wait3A_37] : memref<25088xf32, #tpu.memory_space<vmem>> -> memref<6272xf32, #tpu.memory_space<vmem>>
    %dma_wait3A_39 = arith.constant 0 : i32
    %dma_wait3A_40 = tpu.memref_slice %arg7[%dma_wait3A_39] : memref<25088xi32, #tpu.memory_space<vmem>> -> memref<6272xi32, #tpu.memory_space<vmem>>
    %dma_wait3A_41 = arith.constant 0 : i32
    %dma_wait3A_42 = tpu.memref_slice %arg5[%dma_wait3A_41] : memref<50048xf32, #tpu.memory_space<hbm>> -> memref<50048xf32, #tpu.memory_space<hbm>>
    tpu.wait_indirect_dma semaphore(%arg13 : memref<!tpu.dma_semaphore, #tpu.memory_space<semaphore_mem>>) src(%dma_wait3A_42 : memref<50048xf32, #tpu.memory_space<hbm>>) dst(%dma_wait3A_38 : memref<6272xf32, #tpu.memory_space<vmem>>)
    %dma_start3A_43 = arith.constant 0 : i32
    %dma_start3A_44 = tpu.memref_slice %arg9[%dma_start3A_43] : memref<25088xf32, #tpu.memory_space<vmem>> -> memref<6272xf32, #tpu.memory_space<vmem>>
    %dma_start3A_45 = arith.constant 0 : i32
    %dma_start3A_46 = tpu.memref_slice %arg8[%dma_start3A_45] : memref<25088xi32, #tpu.memory_space<vmem>> -> memref<6272xi32, #tpu.memory_space<vmem>>
    %dma_start3A_47 = arith.constant 0 : i32
    %dma_start3A_48 = tpu.memref_slice %arg10[%dma_start3A_47] : memref<50048xf32, #tpu.memory_space<vmem_shared>> -> memref<50048xf32, #tpu.memory_space<vmem_shared>>
    tpu.enqueue_indirect_dma source(%dma_start3A_44 : memref<6272xf32, #tpu.memory_space<vmem>>) target(%dma_start3A_48 : memref<50048xf32, #tpu.memory_space<vmem_shared>>) offsets(%dma_start3A_46 : memref<6272xi32, #tpu.memory_space<vmem>>) semaphore(%arg17 : memref<!tpu.dma_semaphore, #tpu.memory_space<semaphore_mem>>) {add = true}
    %dma_start3A_49 = arith.constant 12544 : i32
    %dma_start3A_50 = tpu.memref_slice %arg9[%dma_start3A_49] : memref<25088xf32, #tpu.memory_space<vmem>> -> memref<6272xf32, #tpu.memory_space<vmem>>
    %dma_start3A_51 = arith.constant 12544 : i32
    %dma_start3A_52 = tpu.memref_slice %arg7[%dma_start3A_51] : memref<25088xi32, #tpu.memory_space<vmem>> -> memref<6272xi32, #tpu.memory_space<vmem>>
    %dma_start3A_53 = arith.constant 0 : i32
    %dma_start3A_54 = tpu.memref_slice %arg5[%dma_start3A_53] : memref<50048xf32, #tpu.memory_space<hbm>> -> memref<50048xf32, #tpu.memory_space<hbm>>
    tpu.enqueue_indirect_dma source(%dma_start3A_54 : memref<50048xf32, #tpu.memory_space<hbm>>) target(%dma_start3A_50 : memref<6272xf32, #tpu.memory_space<vmem>>) offsets(%dma_start3A_52 : memref<6272xi32, #tpu.memory_space<vmem>>) semaphore(%arg15 : memref<!tpu.dma_semaphore, #tpu.memory_space<semaphore_mem>>)
    %dma_wait3A_55 = arith.constant 6272 : i32
    %dma_wait3A_56 = tpu.memref_slice %arg9[%dma_wait3A_55] : memref<25088xf32, #tpu.memory_space<vmem>> -> memref<6272xf32, #tpu.memory_space<vmem>>
    %dma_wait3A_57 = arith.constant 6272 : i32
    %dma_wait3A_58 = tpu.memref_slice %arg7[%dma_wait3A_57] : memref<25088xi32, #tpu.memory_space<vmem>> -> memref<6272xi32, #tpu.memory_space<vmem>>
    %dma_wait3A_59 = arith.constant 0 : i32
    %dma_wait3A_60 = tpu.memref_slice %arg5[%dma_wait3A_59] : memref<50048xf32, #tpu.memory_space<hbm>> -> memref<50048xf32, #tpu.memory_space<hbm>>
    tpu.wait_indirect_dma semaphore(%arg14 : memref<!tpu.dma_semaphore, #tpu.memory_space<semaphore_mem>>) src(%dma_wait3A_60 : memref<50048xf32, #tpu.memory_space<hbm>>) dst(%dma_wait3A_56 : memref<6272xf32, #tpu.memory_space<vmem>>)
    %dma_start3A_61 = arith.constant 6272 : i32
    %dma_start3A_62 = tpu.memref_slice %arg9[%dma_start3A_61] : memref<25088xf32, #tpu.memory_space<vmem>> -> memref<6272xf32, #tpu.memory_space<vmem>>
    %dma_start3A_63 = arith.constant 6272 : i32
    %dma_start3A_64 = tpu.memref_slice %arg8[%dma_start3A_63] : memref<25088xi32, #tpu.memory_space<vmem>> -> memref<6272xi32, #tpu.memory_space<vmem>>
    %dma_start3A_65 = arith.constant 0 : i32
    %dma_start3A_66 = tpu.memref_slice %arg10[%dma_start3A_65] : memref<50048xf32, #tpu.memory_space<vmem_shared>> -> memref<50048xf32, #tpu.memory_space<vmem_shared>>
    tpu.enqueue_indirect_dma source(%dma_start3A_62 : memref<6272xf32, #tpu.memory_space<vmem>>) target(%dma_start3A_66 : memref<50048xf32, #tpu.memory_space<vmem_shared>>) offsets(%dma_start3A_64 : memref<6272xi32, #tpu.memory_space<vmem>>) semaphore(%arg17 : memref<!tpu.dma_semaphore, #tpu.memory_space<semaphore_mem>>) {add = true}
    %dma_start3A_67 = arith.constant 18816 : i32
    %dma_start3A_68 = tpu.memref_slice %arg9[%dma_start3A_67] : memref<25088xf32, #tpu.memory_space<vmem>> -> memref<6272xf32, #tpu.memory_space<vmem>>
    %dma_start3A_69 = arith.constant 18816 : i32
    %dma_start3A_70 = tpu.memref_slice %arg7[%dma_start3A_69] : memref<25088xi32, #tpu.memory_space<vmem>> -> memref<6272xi32, #tpu.memory_space<vmem>>
    %dma_start3A_71 = arith.constant 0 : i32
    %dma_start3A_72 = tpu.memref_slice %arg5[%dma_start3A_71] : memref<50048xf32, #tpu.memory_space<hbm>> -> memref<50048xf32, #tpu.memory_space<hbm>>
    tpu.enqueue_indirect_dma source(%dma_start3A_72 : memref<50048xf32, #tpu.memory_space<hbm>>) target(%dma_start3A_68 : memref<6272xf32, #tpu.memory_space<vmem>>) offsets(%dma_start3A_70 : memref<6272xi32, #tpu.memory_space<vmem>>) semaphore(%arg16 : memref<!tpu.dma_semaphore, #tpu.memory_space<semaphore_mem>>)
    %dma_wait3A_73 = arith.constant 12544 : i32
    %dma_wait3A_74 = tpu.memref_slice %arg9[%dma_wait3A_73] : memref<25088xf32, #tpu.memory_space<vmem>> -> memref<6272xf32, #tpu.memory_space<vmem>>
    %dma_wait3A_75 = arith.constant 12544 : i32
    %dma_wait3A_76 = tpu.memref_slice %arg7[%dma_wait3A_75] : memref<25088xi32, #tpu.memory_space<vmem>> -> memref<6272xi32, #tpu.memory_space<vmem>>
    %dma_wait3A_77 = arith.constant 0 : i32
    %dma_wait3A_78 = tpu.memref_slice %arg5[%dma_wait3A_77] : memref<50048xf32, #tpu.memory_space<hbm>> -> memref<50048xf32, #tpu.memory_space<hbm>>
    tpu.wait_indirect_dma semaphore(%arg15 : memref<!tpu.dma_semaphore, #tpu.memory_space<semaphore_mem>>) src(%dma_wait3A_78 : memref<50048xf32, #tpu.memory_space<hbm>>) dst(%dma_wait3A_74 : memref<6272xf32, #tpu.memory_space<vmem>>)
    %dma_start3A_79 = arith.constant 12544 : i32
    %dma_start3A_80 = tpu.memref_slice %arg9[%dma_start3A_79] : memref<25088xf32, #tpu.memory_space<vmem>> -> memref<6272xf32, #tpu.memory_space<vmem>>
    %dma_start3A_81 = arith.constant 12544 : i32
    %dma_start3A_82 = tpu.memref_slice %arg8[%dma_start3A_81] : memref<25088xi32, #tpu.memory_space<vmem>> -> memref<6272xi32, #tpu.memory_space<vmem>>
    %dma_start3A_83 = arith.constant 0 : i32
    %dma_start3A_84 = tpu.memref_slice %arg10[%dma_start3A_83] : memref<50048xf32, #tpu.memory_space<vmem_shared>> -> memref<50048xf32, #tpu.memory_space<vmem_shared>>
    tpu.enqueue_indirect_dma source(%dma_start3A_80 : memref<6272xf32, #tpu.memory_space<vmem>>) target(%dma_start3A_84 : memref<50048xf32, #tpu.memory_space<vmem_shared>>) offsets(%dma_start3A_82 : memref<6272xi32, #tpu.memory_space<vmem>>) semaphore(%arg17 : memref<!tpu.dma_semaphore, #tpu.memory_space<semaphore_mem>>) {add = true}
    %dma_wait3A_85 = arith.constant 18816 : i32
    %dma_wait3A_86 = tpu.memref_slice %arg9[%dma_wait3A_85] : memref<25088xf32, #tpu.memory_space<vmem>> -> memref<6272xf32, #tpu.memory_space<vmem>>
    %dma_wait3A_87 = arith.constant 18816 : i32
    %dma_wait3A_88 = tpu.memref_slice %arg7[%dma_wait3A_87] : memref<25088xi32, #tpu.memory_space<vmem>> -> memref<6272xi32, #tpu.memory_space<vmem>>
    %dma_wait3A_89 = arith.constant 0 : i32
    %dma_wait3A_90 = tpu.memref_slice %arg5[%dma_wait3A_89] : memref<50048xf32, #tpu.memory_space<hbm>> -> memref<50048xf32, #tpu.memory_space<hbm>>
    tpu.wait_indirect_dma semaphore(%arg16 : memref<!tpu.dma_semaphore, #tpu.memory_space<semaphore_mem>>) src(%dma_wait3A_90 : memref<50048xf32, #tpu.memory_space<hbm>>) dst(%dma_wait3A_86 : memref<6272xf32, #tpu.memory_space<vmem>>)
    %dma_start3A_91 = arith.constant 18816 : i32
    %dma_start3A_92 = tpu.memref_slice %arg9[%dma_start3A_91] : memref<25088xf32, #tpu.memory_space<vmem>> -> memref<6272xf32, #tpu.memory_space<vmem>>
    %dma_start3A_93 = arith.constant 18816 : i32
    %dma_start3A_94 = tpu.memref_slice %arg8[%dma_start3A_93] : memref<25088xi32, #tpu.memory_space<vmem>> -> memref<6272xi32, #tpu.memory_space<vmem>>
    %dma_start3A_95 = arith.constant 0 : i32
    %dma_start3A_96 = tpu.memref_slice %arg10[%dma_start3A_95] : memref<50048xf32, #tpu.memory_space<vmem_shared>> -> memref<50048xf32, #tpu.memory_space<vmem_shared>>
    tpu.enqueue_indirect_dma source(%dma_start3A_92 : memref<6272xf32, #tpu.memory_space<vmem>>) target(%dma_start3A_96 : memref<50048xf32, #tpu.memory_space<vmem_shared>>) offsets(%dma_start3A_94 : memref<6272xi32, #tpu.memory_space<vmem>>) semaphore(%arg17 : memref<!tpu.dma_semaphore, #tpu.memory_space<semaphore_mem>>) {add = true}
    %dma_wait3A_97 = arith.constant 0 : i32
    %dma_wait3A_98 = tpu.memref_slice %arg9[%dma_wait3A_97] : memref<25088xf32, #tpu.memory_space<vmem>> -> memref<6272xf32, #tpu.memory_space<vmem>>
    %dma_wait3A_99 = arith.constant 0 : i32
    %dma_wait3A_100 = tpu.memref_slice %arg8[%dma_wait3A_99] : memref<25088xi32, #tpu.memory_space<vmem>> -> memref<6272xi32, #tpu.memory_space<vmem>>
    %dma_wait3A_101 = arith.constant 0 : i32
    %dma_wait3A_102 = tpu.memref_slice %arg10[%dma_wait3A_101] : memref<50048xf32, #tpu.memory_space<vmem_shared>> -> memref<50048xf32, #tpu.memory_space<vmem_shared>>
    tpu.wait_indirect_dma semaphore(%arg17 : memref<!tpu.dma_semaphore, #tpu.memory_space<semaphore_mem>>) src(%dma_wait3A_98 : memref<6272xf32, #tpu.memory_space<vmem>>) dst(%dma_wait3A_102 : memref<50048xf32, #tpu.memory_space<vmem_shared>>)
    %dma_wait3A_103 = arith.constant 6272 : i32
    %dma_wait3A_104 = tpu.memref_slice %arg9[%dma_wait3A_103] : memref<25088xf32, #tpu.memory_space<vmem>> -> memref<6272xf32, #tpu.memory_space<vmem>>
    %dma_wait3A_105 = arith.constant 6272 : i32
    %dma_wait3A_106 = tpu.memref_slice %arg8[%dma_wait3A_105] : memref<25088xi32, #tpu.memory_space<vmem>> -> memref<6272xi32, #tpu.memory_space<vmem>>
    %dma_wait3A_107 = arith.constant 0 : i32
    %dma_wait3A_108 = tpu.memref_slice %arg10[%dma_wait3A_107] : memref<50048xf32, #tpu.memory_space<vmem_shared>> -> memref<50048xf32, #tpu.memory_space<vmem_shared>>
    tpu.wait_indirect_dma semaphore(%arg17 : memref<!tpu.dma_semaphore, #tpu.memory_space<semaphore_mem>>) src(%dma_wait3A_104 : memref<6272xf32, #tpu.memory_space<vmem>>) dst(%dma_wait3A_108 : memref<50048xf32, #tpu.memory_space<vmem_shared>>)
    %dma_wait3A_109 = arith.constant 12544 : i32
    %dma_wait3A_110 = tpu.memref_slice %arg9[%dma_wait3A_109] : memref<25088xf32, #tpu.memory_space<vmem>> -> memref<6272xf32, #tpu.memory_space<vmem>>
    %dma_wait3A_111 = arith.constant 12544 : i32
    %dma_wait3A_112 = tpu.memref_slice %arg8[%dma_wait3A_111] : memref<25088xi32, #tpu.memory_space<vmem>> -> memref<6272xi32, #tpu.memory_space<vmem>>
    %dma_wait3A_113 = arith.constant 0 : i32
    %dma_wait3A_114 = tpu.memref_slice %arg10[%dma_wait3A_113] : memref<50048xf32, #tpu.memory_space<vmem_shared>> -> memref<50048xf32, #tpu.memory_space<vmem_shared>>
    tpu.wait_indirect_dma semaphore(%arg17 : memref<!tpu.dma_semaphore, #tpu.memory_space<semaphore_mem>>) src(%dma_wait3A_110 : memref<6272xf32, #tpu.memory_space<vmem>>) dst(%dma_wait3A_114 : memref<50048xf32, #tpu.memory_space<vmem_shared>>)
    %dma_wait3A_115 = arith.constant 18816 : i32
    %dma_wait3A_116 = tpu.memref_slice %arg9[%dma_wait3A_115] : memref<25088xf32, #tpu.memory_space<vmem>> -> memref<6272xf32, #tpu.memory_space<vmem>>
    %dma_wait3A_117 = arith.constant 18816 : i32
    %dma_wait3A_118 = tpu.memref_slice %arg8[%dma_wait3A_117] : memref<25088xi32, #tpu.memory_space<vmem>> -> memref<6272xi32, #tpu.memory_space<vmem>>
    %dma_wait3A_119 = arith.constant 0 : i32
    %dma_wait3A_120 = tpu.memref_slice %arg10[%dma_wait3A_119] : memref<50048xf32, #tpu.memory_space<vmem_shared>> -> memref<50048xf32, #tpu.memory_space<vmem_shared>>
    tpu.wait_indirect_dma semaphore(%arg17 : memref<!tpu.dma_semaphore, #tpu.memory_space<semaphore_mem>>) src(%dma_wait3A_116 : memref<6272xf32, #tpu.memory_space<vmem>>) dst(%dma_wait3A_120 : memref<50048xf32, #tpu.memory_space<vmem_shared>>)
    %barrier3A_121 = arith.constant 0 : index
    tpu.barrier barrier_id(%barrier3A_121)
    %eq3A_122 = arith.constant 0 : i32
    %eq3A_123 = arith.cmpi eq, %arg1, %eq3A_122 : i32
    %convert_element_type3A_124 = arith.extui %eq3A_123 : i1 to i32
    %cond3A_125 = arith.constant 0 : i32
    %cond3A_126 = arith.cmpi ne, %convert_element_type3A_124, %cond3A_125 : i32
    scf.if %cond3A_126 {
      "tpu.region"() ({
        %run_scoped3A = tpu.sem_alloc : memref<!tpu.dma_semaphore, #tpu.memory_space<semaphore_mem>>
        %dma_start3A_127 = arith.constant 0 : i32
        %dma_start3A_128 = tpu.memref_slice %arg6[%arg0, %dma_start3A_127] : memref<2x50048xf32, #tpu.memory_space<hbm>> -> memref<1x50048xf32, #tpu.memory_space<hbm>>
        %dma_start3A_129 = tpu.memref_squeeze %dma_start3A_128 : memref<1x50048xf32, #tpu.memory_space<hbm>> -> memref<50048xf32, #tpu.memory_space<hbm>>
        tpu.enqueue_dma source(%arg10 : memref<50048xf32, #tpu.memory_space<vmem_shared>>) target(%dma_start3A_129 : memref<50048xf32, #tpu.memory_space<hbm>>) target_semaphore(%run_scoped3A : memref<!tpu.dma_semaphore, #tpu.memory_space<semaphore_mem>>)
        %dma_wait3A_130 = arith.constant 0 : i32
        %dma_wait3A_131 = tpu.memref_slice %arg6[%arg0, %dma_wait3A_130] : memref<2x50048xf32, #tpu.memory_space<hbm>> -> memref<1x50048xf32, #tpu.memory_space<hbm>>
        %dma_wait3A_132 = tpu.memref_squeeze %dma_wait3A_131 : memref<1x50048xf32, #tpu.memory_space<hbm>> -> memref<50048xf32, #tpu.memory_space<hbm>>
        tpu.wait_dma2 semaphore(%run_scoped3A : memref<!tpu.dma_semaphore, #tpu.memory_space<semaphore_mem>>) src(%arg10 : memref<50048xf32, #tpu.memory_space<vmem_shared>>) dst(%dma_wait3A_132 : memref<50048xf32, #tpu.memory_space<hbm>>)
        tpu.yield
      }) : () -> ()
    } else {
    }
    return
  }
}

module attributes {stable_mosaic.version = 14 : i64} {
  func.func @_stage1_body(%arg0: memref<2x391x128xf32, #tpu.memory_space<vmem>>, %arg1: memref<391x128xf32, #tpu.memory_space<vmem>>, %arg2: memref<391x128xf32, #tpu.memory_space<vmem>>, %arg3: memref<391x128xf32, #tpu.memory_space<vmem>>) attributes {dimension_semantics = [], scalar_prefetch = 0 : i64, scratch_operands = 0 : i64, tpu.core_type = #tpu.core_type<tc>} {
    %get3A = arith.constant 0 : index
    %get3A_0 = arith.constant 0 : index
    %get3A_1 = arith.constant 0 : index
    %get3A_2 = vector.load %arg0[%get3A, %get3A_0, %get3A_1] : memref<2x391x128xf32, #tpu.memory_space<vmem>>, vector<1x391x128xf32>
    %get3A_3 = vector.shape_cast %get3A_2 : vector<1x391x128xf32> to vector<391x128xf32>
    %get3A_4 = arith.constant 1 : index
    %get3A_5 = arith.constant 0 : index
    %get3A_6 = arith.constant 0 : index
    %get3A_7 = vector.load %arg0[%get3A_4, %get3A_5, %get3A_6] : memref<2x391x128xf32, #tpu.memory_space<vmem>>, vector<1x391x128xf32>
    %get3A_8 = vector.shape_cast %get3A_7 : vector<1x391x128xf32> to vector<391x128xf32>
    %add3A = arith.addf %get3A_3, %get3A_8 : vector<391x128xf32>
    %add3A_9 = arith.constant 1.000000e+00 : f32
    %add3A_10 = vector.broadcast %add3A_9 : f32 to vector<391x128xf32>
    %add3A_11 = arith.addf %add3A, %add3A_10 : vector<391x128xf32>
    %rsqrt3A = math.rsqrt %add3A_11 : vector<391x128xf32>
    %swap3A = arith.constant 0 : index
    %swap3A_12 = arith.constant 0 : index
    %swap3A_13 = vector.load %arg2[%swap3A, %swap3A_12] : memref<391x128xf32, #tpu.memory_space<vmem>>, vector<391x128xf32>
    tpu.vector_store %arg2[%swap3A, %swap3A_12], %rsqrt3A {strides = array<i32>} : memref<391x128xf32, #tpu.memory_space<vmem>>, vector<391x128xf32>,
    %get3A_14 = arith.constant 0 : index
    %get3A_15 = arith.constant 0 : index
    %get3A_16 = vector.load %arg1[%get3A_14, %get3A_15] : memref<391x128xf32, #tpu.memory_space<vmem>>, vector<391x128xf32>
    %mul3A = arith.mulf %get3A_16, %rsqrt3A : vector<391x128xf32>
    %swap3A_17 = arith.constant 0 : index
    %swap3A_18 = arith.constant 0 : index
    %swap3A_19 = vector.load %arg3[%swap3A_17, %swap3A_18] : memref<391x128xf32, #tpu.memory_space<vmem>>, vector<391x128xf32>
    tpu.vector_store %arg3[%swap3A_17, %swap3A_18], %mul3A {strides = array<i32>} : memref<391x128xf32, #tpu.memory_space<vmem>>, vector<391x128xf32>,
    return
  }
}

module attributes {stable_mosaic.version = 14 : i64} {
  func.func @_stage2_body(%arg0: memref<2x391x128xf32, #tpu.memory_space<vmem>>, %arg1: memref<391x128xf32, #tpu.memory_space<vmem>>, %arg2: memref<391x128xf32, #tpu.memory_space<vmem>>, %arg3: memref<391x128xf32, #tpu.memory_space<vmem>>, %arg4: memref<391x128xf32, #tpu.memory_space<vmem>>) attributes {dimension_semantics = [], scalar_prefetch = 0 : i64, scratch_operands = 0 : i64, tpu.core_type = #tpu.core_type<tc>} {
    %get3A = arith.constant 0 : index
    %get3A_0 = arith.constant 0 : index
    %get3A_1 = vector.load %arg1[%get3A, %get3A_0] : memref<391x128xf32, #tpu.memory_space<vmem>>, vector<391x128xf32>
    %get3A_2 = arith.constant 0 : index
    %get3A_3 = arith.constant 0 : index
    %get3A_4 = arith.constant 0 : index
    %get3A_5 = vector.load %arg0[%get3A_2, %get3A_3, %get3A_4] : memref<2x391x128xf32, #tpu.memory_space<vmem>>, vector<1x391x128xf32>
    %get3A_6 = vector.shape_cast %get3A_5 : vector<1x391x128xf32> to vector<391x128xf32>
    %get3A_7 = arith.constant 1 : index
    %get3A_8 = arith.constant 0 : index
    %get3A_9 = arith.constant 0 : index
    %get3A_10 = vector.load %arg0[%get3A_7, %get3A_8, %get3A_9] : memref<2x391x128xf32, #tpu.memory_space<vmem>>, vector<1x391x128xf32>
    %get3A_11 = vector.shape_cast %get3A_10 : vector<1x391x128xf32> to vector<391x128xf32>
    %add3A = arith.addf %get3A_6, %get3A_11 : vector<391x128xf32>
    %get3A_12 = arith.constant 0 : index
    %get3A_13 = arith.constant 0 : index
    %get3A_14 = vector.load %arg2[%get3A_12, %get3A_13] : memref<391x128xf32, #tpu.memory_space<vmem>>, vector<391x128xf32>
    %add3A_15 = arith.addf %add3A, %get3A_14 : vector<391x128xf32>
    %mul3A = arith.mulf %get3A_1, %add3A_15 : vector<391x128xf32>
    %max3A = arith.constant 0.000000e+00 : f32
    %max3A_16 = vector.broadcast %max3A : f32 to vector<391x128xf32>
    %max3A_17 = arith.maximumf %mul3A, %max3A_16 : vector<391x128xf32>
    %mul3A_18 = arith.mulf %max3A_17, %get3A_1 : vector<391x128xf32>
    %swap3A = arith.constant 0 : index
    %swap3A_19 = arith.constant 0 : index
    %swap3A_20 = vector.load %arg3[%swap3A, %swap3A_19] : memref<391x128xf32, #tpu.memory_space<vmem>>, vector<391x128xf32>
    tpu.vector_store %arg3[%swap3A, %swap3A_19], %mul3A_18 {strides = array<i32>} : memref<391x128xf32, #tpu.memory_space<vmem>>, vector<391x128xf32>,
    %min3A = arith.constant 0.000000e+00 : f32
    %min3A_21 = vector.broadcast %min3A : f32 to vector<391x128xf32>
    %min3A_22 = arith.minimumf %mul3A, %min3A_21 : vector<391x128xf32>
    %mul3A_23 = arith.mulf %min3A_22, %get3A_1 : vector<391x128xf32>
    %swap3A_24 = arith.constant 0 : index
    %swap3A_25 = arith.constant 0 : index
    %swap3A_26 = vector.load %arg4[%swap3A_24, %swap3A_25] : memref<391x128xf32, #tpu.memory_space<vmem>>, vector<391x128xf32>
    tpu.vector_store %arg4[%swap3A_24, %swap3A_25], %mul3A_23 {strides = array<i32>} : memref<391x128xf32, #tpu.memory_space<vmem>>, vector<391x128xf32>,
    return
  }
}

module attributes {stable_mosaic.version = 14 : i64} {
  func.func @_stage3_body(%arg0: i32, %arg1: memref<2x2176x1xf32, #tpu.memory_space<vmem>>, %arg2: memref<2x2176x1xf32, #tpu.memory_space<vmem>>, %arg3: memref<2176x1xf32, #tpu.memory_space<vmem>>, %arg4: memref<2176x1xf32, #tpu.memory_space<vmem>>, %arg5: memref<2176x1xf32, #tpu.memory_space<vmem>>, %arg6: memref<2176x1xi32, #tpu.memory_space<vmem>>, %arg7: memref<1x128xf32, #tpu.memory_space<vmem>>, %arg8: memref<128x128xf32, #tpu.memory_space<vmem>>, %arg9: memref<1x128xf32, #tpu.memory_space<vmem>>, %arg10: memref<128x2xf32, #tpu.memory_space<vmem>>, %arg11: memref<1x2xf32, #tpu.memory_space<vmem>>, %arg12: memref<128x2xf32, #tpu.memory_space<vmem>>, %arg13: memref<128x128xf32, #tpu.memory_space<vmem>>, %arg14: memref<128x1xf32, #tpu.memory_space<vmem>>) attributes {dimension_semantics = [#tpu.dimension_semantics<arbitrary>], iteration_bounds = array<i64: 23>, scalar_prefetch = 0 : i64, scratch_operands = 2 : i64, tpu.core_type = #tpu.core_type<tc>, window_params = [{transform_indices = @transform_0, window_bounds = array<i64: 2, 2176, 1>}, {transform_indices = @transform_1, window_bounds = array<i64: 2, 2176, 1>}, {transform_indices = @transform_2, window_bounds = array<i64: 2176, 1>}, {transform_indices = @transform_3, window_bounds = array<i64: 2176, 1>}, {transform_indices = @transform_4, window_bounds = array<i64: 2176, 1>}, {transform_indices = @transform_5, window_bounds = array<i64: 2176, 1>}, {pipeline_mode = #tpu.pipeline_mode<synchronous>, transform_indices = @transform_6, window_bounds = array<i64: 1, 128>}, {pipeline_mode = #tpu.pipeline_mode<synchronous>, transform_indices = @transform_7, window_bounds = array<i64: 128, 128>}, {pipeline_mode = #tpu.pipeline_mode<synchronous>, transform_indices = @transform_8, window_bounds = array<i64: 1, 128>}, {pipeline_mode = #tpu.pipeline_mode<synchronous>, transform_indices = @transform_9, window_bounds = array<i64: 128, 2>}, {pipeline_mode = #tpu.pipeline_mode<synchronous>, transform_indices = @transform_10, window_bounds = array<i64: 1, 2>}, {pipeline_mode = #tpu.pipeline_mode<synchronous>, transform_indices = @transform_11, window_bounds = array<i64: 128, 2>}]} {
    %eq3A = arith.constant 0 : i32
    %eq3A_0 = arith.cmpi eq, %arg0, %eq3A : i32
    %convert_element_type3A = arith.extui %eq3A_0 : i1 to i32
    %cond3A = arith.constant 0 : i32
    %cond3A_1 = arith.cmpi ne, %convert_element_type3A, %cond3A : i32
    scf.if %cond3A_1 {
      %broadcast_in_dim3A_98 = arith.constant 0.000000e+00 : f32
      %broadcast_in_dim3A_99 = vector.broadcast %broadcast_in_dim3A_98 : f32 to vector<128x128xf32>
      %swap3A_100 = arith.constant 0 : index
      %swap3A_101 = arith.constant 0 : index
      %swap3A_102 = vector.load %arg13[%swap3A_100, %swap3A_101] : memref<128x128xf32, #tpu.memory_space<vmem>>, vector<128x128xf32>
      tpu.vector_store %arg13[%swap3A_100, %swap3A_101], %broadcast_in_dim3A_99 {strides = array<i32>} : memref<128x128xf32, #tpu.memory_space<vmem>>, vector<128x128xf32>,
      %broadcast_in_dim3A_103 = arith.constant 0.000000e+00 : f32
      %broadcast_in_dim3A_104 = vector.broadcast %broadcast_in_dim3A_103 : f32 to vector<128x1xf32>
      %swap3A_105 = arith.constant 0 : index
      %swap3A_106 = arith.constant 0 : index
      %swap3A_107 = vector.load %arg14[%swap3A_105, %swap3A_106] : memref<128x1xf32, #tpu.memory_space<vmem>>, vector<128x1xf32>
      tpu.vector_store %arg14[%swap3A_105, %swap3A_106], %broadcast_in_dim3A_104 {strides = array<i32>} : memref<128x1xf32, #tpu.memory_space<vmem>>, vector<128x1xf32>,
    } else {
    }
    %get3A = arith.constant 0 : index
    %get3A_2 = arith.constant 0 : index
    %get3A_3 = vector.load %arg3[%get3A, %get3A_2] : memref<2176x1xf32, #tpu.memory_space<vmem>>, vector<2176x1xf32>
    %get3A_4 = arith.constant 0 : index
    %get3A_5 = arith.constant 0 : index
    %get3A_6 = arith.constant 0 : index
    %get3A_7 = vector.load %arg1[%get3A_4, %get3A_5, %get3A_6] : memref<2x2176x1xf32, #tpu.memory_space<vmem>>, vector<1x2176x1xf32>
    %get3A_8 = vector.shape_cast %get3A_7 : vector<1x2176x1xf32> to vector<2176x1xf32>
    %get3A_9 = arith.constant 1 : index
    %get3A_10 = arith.constant 0 : index
    %get3A_11 = arith.constant 0 : index
    %get3A_12 = vector.load %arg1[%get3A_9, %get3A_10, %get3A_11] : memref<2x2176x1xf32, #tpu.memory_space<vmem>>, vector<1x2176x1xf32>
    %get3A_13 = vector.shape_cast %get3A_12 : vector<1x2176x1xf32> to vector<2176x1xf32>
    %add3A = arith.addf %get3A_8, %get3A_13 : vector<2176x1xf32>
    %get3A_14 = arith.constant 0 : index
    %get3A_15 = arith.constant 0 : index
    %get3A_16 = vector.load %arg4[%get3A_14, %get3A_15] : memref<2176x1xf32, #tpu.memory_space<vmem>>, vector<2176x1xf32>
    %add3A_17 = arith.addf %add3A, %get3A_16 : vector<2176x1xf32>
    %mul3A = arith.mulf %get3A_3, %add3A_17 : vector<2176x1xf32>
    %get3A_18 = arith.constant 0 : index
    %get3A_19 = arith.constant 0 : index
    %get3A_20 = arith.constant 0 : index
    %get3A_21 = vector.load %arg2[%get3A_18, %get3A_19, %get3A_20] : memref<2x2176x1xf32, #tpu.memory_space<vmem>>, vector<1x2176x1xf32>
    %get3A_22 = vector.shape_cast %get3A_21 : vector<1x2176x1xf32> to vector<2176x1xf32>
    %get3A_23 = arith.constant 1 : index
    %get3A_24 = arith.constant 0 : index
    %get3A_25 = arith.constant 0 : index
    %get3A_26 = vector.load %arg2[%get3A_23, %get3A_24, %get3A_25] : memref<2x2176x1xf32, #tpu.memory_space<vmem>>, vector<1x2176x1xf32>
    %get3A_27 = vector.shape_cast %get3A_26 : vector<1x2176x1xf32> to vector<2176x1xf32>
    %add3A_28 = arith.addf %get3A_22, %get3A_27 : vector<2176x1xf32>
    %get3A_29 = arith.constant 0 : index
    %get3A_30 = arith.constant 0 : index
    %get3A_31 = vector.load %arg5[%get3A_29, %get3A_30] : memref<2176x1xf32, #tpu.memory_space<vmem>>, vector<2176x1xf32>
    %add3A_32 = arith.addf %add3A_28, %get3A_31 : vector<2176x1xf32>
    %mul3A_33 = arith.mulf %get3A_3, %add3A_32 : vector<2176x1xf32>
    %get3A_34 = arith.constant 0 : index
    %get3A_35 = arith.constant 0 : index
    %get3A_36 = vector.load %arg7[%get3A_34, %get3A_35] : memref<1x128xf32, #tpu.memory_space<vmem>>, vector<1x128xf32>
    %max3A = arith.constant 0.000000e+00 : f32
    %max3A_37 = vector.broadcast %max3A : f32 to vector<1x128xf32>
    %max3A_38 = arith.maximumf %get3A_36, %max3A_37 : vector<1x128xf32>
    %get3A_39 = arith.constant 0 : index
    %get3A_40 = arith.constant 0 : index
    %get3A_41 = vector.load %arg8[%get3A_39, %get3A_40] : memref<128x128xf32, #tpu.memory_space<vmem>>, vector<128x128xf32>
    %dot_general3A = arith.constant dense<0.000000e+00> : vector<1x128xf32>
    %dot_general3A_42 = tpu.matmul %max3A_38, %get3A_41, %dot_general3A {dimension_numbers = #tpu.dot_dimension_numbers<[1], [0], [0], [1], [0, 0, 1, 1], [], []>, transpose_lhs_hint = false} : vector<1x128xf32>, vector<128x128xf32>, vector<1x128xf32> -> vector<1x128xf32>
    %get3A_43 = arith.constant 0 : index
    %get3A_44 = arith.constant 0 : index
    %get3A_45 = vector.load %arg7[%get3A_43, %get3A_44] : memref<1x128xf32, #tpu.memory_space<vmem>>, vector<1x128xf32>
    %min3A = arith.constant 0.000000e+00 : f32
    %min3A_46 = vector.broadcast %min3A : f32 to vector<1x128xf32>
    %min3A_47 = arith.minimumf %get3A_45, %min3A_46 : vector<1x128xf32>
    %get3A_48 = arith.constant 0 : index
    %get3A_49 = arith.constant 0 : index
    %get3A_50 = vector.load %arg8[%get3A_48, %get3A_49] : memref<128x128xf32, #tpu.memory_space<vmem>>, vector<128x128xf32>
    %dot_general3A_51 = arith.constant dense<0.000000e+00> : vector<1x128xf32>
    %dot_general3A_52 = tpu.matmul %min3A_47, %get3A_50, %dot_general3A_51 {dimension_numbers = #tpu.dot_dimension_numbers<[1], [0], [0], [1], [0, 0, 1, 1], [], []>, transpose_lhs_hint = false} : vector<1x128xf32>, vector<128x128xf32>, vector<1x128xf32> -> vector<1x128xf32>
    %mul3A_53 = vector.broadcast %mul3A : vector<2176x1xf32> to vector<2176x128xf32>
    %mul3A_54 = vector.broadcast %dot_general3A_42 : vector<1x128xf32> to vector<2176x128xf32>
    %mul3A_55 = arith.mulf %mul3A_53, %mul3A_54 : vector<2176x128xf32>
    %mul3A_56 = vector.broadcast %mul3A_33 : vector<2176x1xf32> to vector<2176x128xf32>
    %mul3A_57 = vector.broadcast %dot_general3A_52 : vector<1x128xf32> to vector<2176x128xf32>
    %mul3A_58 = arith.mulf %mul3A_56, %mul3A_57 : vector<2176x128xf32>
    %add3A_59 = arith.addf %mul3A_55, %mul3A_58 : vector<2176x128xf32>
    %get3A_60 = arith.constant 0 : index
    %get3A_61 = arith.constant 0 : index
    %get3A_62 = vector.load %arg9[%get3A_60, %get3A_61] : memref<1x128xf32, #tpu.memory_space<vmem>>, vector<1x128xf32>
    %add3A_63 = vector.broadcast %get3A_62 : vector<1x128xf32> to vector<2176x128xf32>
    %add3A_64 = arith.addf %add3A_59, %add3A_63 : vector<2176x128xf32>
    %max3A_65 = arith.constant 0.000000e+00 : f32
    %max3A_66 = vector.broadcast %max3A_65 : f32 to vector<2176x128xf32>
    %max3A_67 = arith.maximumf %add3A_64, %max3A_66 : vector<2176x128xf32>
    %get3A_68 = arith.constant 0 : index
    %get3A_69 = arith.constant 0 : index
    %get3A_70 = vector.load %arg6[%get3A_68, %get3A_69] : memref<2176x1xi32, #tpu.memory_space<vmem>>, vector<2176x1xi32>
    %iota3A = tpu.iota {dimensions = array<i32: 1>} : vector<2176x128xi32>
    %eq3A_71 = vector.broadcast %get3A_70 : vector<2176x1xi32> to vector<2176x128xi32>
    %eq3A_72 = arith.cmpi eq, %eq3A_71, %iota3A : vector<2176x128xi32>
    %convert_element_type3A_73 = arith.extui %eq3A_72 : vector<2176x128xi1> to vector<2176x128xi32>
    %convert_element_type3A_74 = arith.sitofp %convert_element_type3A_73 : vector<2176x128xi32> to vector<2176x128xf32>
    %get3A_75 = arith.constant 0 : index
    %get3A_76 = arith.constant 0 : index
    %get3A_77 = vector.load %arg13[%get3A_75, %get3A_76] : memref<128x128xf32, #tpu.memory_space<vmem>>, vector<128x128xf32>
    %dot_general3A_78 = arith.constant dense<0.000000e+00> : vector<128x128xf32>
    %dot_general3A_79 = tpu.matmul %convert_element_type3A_74, %max3A_67, %dot_general3A_78 {dimension_numbers = #tpu.dot_dimension_numbers<[0], [0], [1], [1], [0, 1, 1, 1], [], []>, transpose_lhs_hint = false} : vector<2176x128xf32>, vector<2176x128xf32>, vector<128x128xf32> -> vector<128x128xf32>
    %add3A_80 = arith.addf %get3A_77, %dot_general3A_79 : vector<128x128xf32>
    %swap3A = arith.constant 0 : index
    %swap3A_81 = arith.constant 0 : index
    %swap3A_82 = vector.load %arg13[%swap3A, %swap3A_81] : memref<128x128xf32, #tpu.memory_space<vmem>>, vector<128x128xf32>
    tpu.vector_store %arg13[%swap3A, %swap3A_81], %add3A_80 {strides = array<i32>} : memref<128x128xf32, #tpu.memory_space<vmem>>, vector<128x128xf32>,
    %get3A_83 = arith.constant 0 : index
    %get3A_84 = arith.constant 0 : index
    %get3A_85 = vector.load %arg14[%get3A_83, %get3A_84] : memref<128x1xf32, #tpu.memory_space<vmem>>, vector<128x1xf32>
    %broadcast_in_dim3A = arith.constant 1.000000e+00 : f32
    %broadcast_in_dim3A_86 = vector.broadcast %broadcast_in_dim3A : f32 to vector<2176x1xf32>
    %dot_general3A_87 = arith.constant dense<0.000000e+00> : vector<128x1xf32>
    %dot_general3A_88 = tpu.matmul %convert_element_type3A_74, %broadcast_in_dim3A_86, %dot_general3A_87 {dimension_numbers = #tpu.dot_dimension_numbers<[0], [0], [1], [1], [0, 1, 1, 1], [], []>, transpose_lhs_hint = false} : vector<2176x128xf32>, vector<2176x1xf32>, vector<128x1xf32> -> vector<128x1xf32>
    %add3A_89 = arith.addf %get3A_85, %dot_general3A_88 : vector<128x1xf32>
    %swap3A_90 = arith.constant 0 : index
    %swap3A_91 = arith.constant 0 : index
    %swap3A_92 = vector.load %arg14[%swap3A_90, %swap3A_91] : memref<128x1xf32, #tpu.memory_space<vmem>>, vector<128x1xf32>
    tpu.vector_store %arg14[%swap3A_90, %swap3A_91], %add3A_89 {strides = array<i32>} : memref<128x1xf32, #tpu.memory_space<vmem>>, vector<128x1xf32>,
    %eq3A_93 = arith.constant 22 : i32
    %eq3A_94 = arith.cmpi eq, %arg0, %eq3A_93 : i32
    %convert_element_type3A_95 = arith.extui %eq3A_94 : i1 to i32
    %cond3A_96 = arith.constant 0 : i32
    %cond3A_97 = arith.cmpi ne, %convert_element_type3A_95, %cond3A_96 : i32
    scf.if %cond3A_97 {
      %get3A_98 = arith.constant 0 : index
      %get3A_99 = arith.constant 0 : index
      %get3A_100 = vector.load %arg13[%get3A_98, %get3A_99] : memref<128x128xf32, #tpu.memory_space<vmem>>, vector<128x128xf32>
      %get3A_101 = arith.constant 0 : index
      %get3A_102 = arith.constant 0 : index
      %get3A_103 = vector.load %arg14[%get3A_101, %get3A_102] : memref<128x1xf32, #tpu.memory_space<vmem>>, vector<128x1xf32>
      %max3A_104 = arith.constant 1.000000e+00 : f32
      %max3A_105 = vector.broadcast %max3A_104 : f32 to vector<128x1xf32>
      %max3A_106 = arith.maximumf %get3A_103, %max3A_105 : vector<128x1xf32>
      %div3A = vector.broadcast %max3A_106 : vector<128x1xf32> to vector<128x128xf32>
      %div3A_107 = arith.divf %get3A_100, %div3A : vector<128x128xf32>
      %get3A_108 = arith.constant 0 : index
      %get3A_109 = arith.constant 0 : index
      %get3A_110 = vector.load %arg10[%get3A_108, %get3A_109] : memref<128x2xf32, #tpu.memory_space<vmem>>, vector<128x2xf32>
      %dot_general3A_111 = arith.constant dense<0.000000e+00> : vector<128x2xf32>
      %dot_general3A_112 = tpu.matmul %div3A_107, %get3A_110, %dot_general3A_111 {dimension_numbers = #tpu.dot_dimension_numbers<[1], [0], [0], [1], [0, 0, 1, 1], [], []>, transpose_lhs_hint = false} : vector<128x128xf32>, vector<128x2xf32>, vector<128x2xf32> -> vector<128x2xf32>
      %get3A_113 = arith.constant 0 : index
      %get3A_114 = arith.constant 0 : index
      %get3A_115 = vector.load %arg11[%get3A_113, %get3A_114] : memref<1x2xf32, #tpu.memory_space<vmem>>, vector<1x2xf32>
      %add3A_116 = vector.broadcast %get3A_115 : vector<1x2xf32> to vector<128x2xf32>
      %add3A_117 = arith.addf %dot_general3A_112, %add3A_116 : vector<128x2xf32>
      %swap3A_118 = arith.constant 0 : index
      %swap3A_119 = arith.constant 0 : index
      %swap3A_120 = vector.load %arg12[%swap3A_118, %swap3A_119] : memref<128x2xf32, #tpu.memory_space<vmem>>, vector<128x2xf32>
      tpu.vector_store %arg12[%swap3A_118, %swap3A_119], %add3A_117 {strides = array<i32>} : memref<128x2xf32, #tpu.memory_space<vmem>>, vector<128x2xf32>,
    } else {
    }
    return
  }
  func.func @transform_0(%arg0: i32) -> (i32, i32, i32) {
    %c0_i32 = arith.constant 0 : i32
    %c0_i32_0 = arith.constant 0 : i32
    %c0_i32_1 = arith.constant 0 : i32
    return %c0_i32, %arg0, %c0_i32_0 : i32, i32, i32
  }
  func.func @transform_1(%arg0: i32) -> (i32, i32, i32) {
    %c0_i32 = arith.constant 0 : i32
    %c0_i32_0 = arith.constant 0 : i32
    %c0_i32_1 = arith.constant 0 : i32
    return %c0_i32, %arg0, %c0_i32_0 : i32, i32, i32
  }
  func.func @transform_2(%arg0: i32) -> (i32, i32) {
    %c0_i32 = arith.constant 0 : i32
    %c0_i32_0 = arith.constant 0 : i32
    return %arg0, %c0_i32 : i32, i32
  }
  func.func @transform_3(%arg0: i32) -> (i32, i32) {
    %c0_i32 = arith.constant 0 : i32
    %c0_i32_0 = arith.constant 0 : i32
    return %arg0, %c0_i32 : i32, i32
  }
  func.func @transform_4(%arg0: i32) -> (i32, i32) {
    %c0_i32 = arith.constant 0 : i32
    %c0_i32_0 = arith.constant 0 : i32
    return %arg0, %c0_i32 : i32, i32
  }
  func.func @transform_5(%arg0: i32) -> (i32, i32) {
    %c0_i32 = arith.constant 0 : i32
    %c0_i32_0 = arith.constant 0 : i32
    return %arg0, %c0_i32 : i32, i32
  }
  func.func @transform_6(%arg0: i32) -> (i32, i32) {
    %c0_i32 = arith.constant 0 : i32
    %c0_i32_0 = arith.constant 0 : i32
    %c0_i32_1 = arith.constant 0 : i32
    return %c0_i32, %c0_i32_0 : i32, i32
  }
  func.func @transform_7(%arg0: i32) -> (i32, i32) {
    %c0_i32 = arith.constant 0 : i32
    %c0_i32_0 = arith.constant 0 : i32
    %c0_i32_1 = arith.constant 0 : i32
    return %c0_i32, %c0_i32_0 : i32, i32
  }
  func.func @transform_8(%arg0: i32) -> (i32, i32) {
    %c0_i32 = arith.constant 0 : i32
    %c0_i32_0 = arith.constant 0 : i32
    %c0_i32_1 = arith.constant 0 : i32
    return %c0_i32, %c0_i32_0 : i32, i32
  }
  func.func @transform_9(%arg0: i32) -> (i32, i32) {
    %c0_i32 = arith.constant 0 : i32
    %c0_i32_0 = arith.constant 0 : i32
    %c0_i32_1 = arith.constant 0 : i32
    return %c0_i32, %c0_i32_0 : i32, i32
  }
  func.func @transform_10(%arg0: i32) -> (i32, i32) {
    %c0_i32 = arith.constant 0 : i32
    %c0_i32_0 = arith.constant 0 : i32
    %c0_i32_1 = arith.constant 0 : i32
    return %c0_i32, %c0_i32_0 : i32, i32
  }
  func.func @transform_11(%arg0: i32) -> (i32, i32) {
    %c0_i32 = arith.constant 0 : i32
    %c0_i32_0 = arith.constant 0 : i32
    %c0_i32_1 = arith.constant 0 : i32
    return %c0_i32, %c0_i32_0 : i32, i32
  }
}

</mosaic_0001>

<sc_bundles>
// kernel: kernel.11.cloned.1.call-start
scs
__scs_entry_jumppad:
0x0: {  	(pc) =	sbr.rel $0x88, $3  }
0x1: {  	(tag) =	ssettag $0x0;
	lr =	simm.s32 $0x1  }
0x2: {  	[smem:$0x3F99] =	sst lr;
	_ =	strace $0xD0000000  }
0x3: {  	_ = 	snop  }
0x4: {  	_ = 	snop  }
0x5: {  	_ = 	snop  }
0x6: {  	_ = 	snop  }
0x7: {  	_ = 	snop  }
__scs_overlays_trampoline_lowered:
0x8: {  	[smem:$0x3FA8] =	sst s0  }
0x9: {  	[smem:$0x3FA9] =	sst s1  }
0xa: {  	[smem:$0x3FAA] =	sst s2  }
0xb: {  	[smem:$0x3FAB] =	sst s3  }
0xc: {  	[smem:$0x3FAC] =	sst s4  }
0xd: {  	[smem:$0x3FAD] =	sst s5  }
0xe: {  	[smem:$0x3FAE] =	sst s6  }
0xf: {  	[smem:$0x3FAF] =	sst s7  }
0x10: {  	[smem:$0x3FB0] =	sst s8  }
0x11: {  	[smem:$0x3FB1] =	sst s9;
	s0 =	simm.s32 @!p0 $0x0  }
0x12: {  	s1 =	sld [smem:$0x3F97];
	s0 =	simm.s32 @p0 $0x1  }
0x13: {  	[smem:$0x3FB2] =	sst s0;
	s0 =	simm.s32 @!p1 $0x0  }
0x14: {  	s2 =	sld [smem:$0x3F96];
	s0 =	simm.s32 @p1 $0x1  }
0x15: {  	[smem:$0x3FB3] =	sst s0;
	s0 =	simm.s32 @!p2 $0x0  }
0x16: {  	s3 =	sld [smem:$0x3FDB];
	s0 =	simm.s32 @p2 $0x1  }
0x17: {  	s4 =	simm.s32 $0x1BF5;
	[smem:$0x3FB5] =	sst s0  }
0x18: {  	s0 =	sld [smem:$0x3F98];
	_ =	swait.ge [sflag:s4], $0x0  }
0x19: {  	s7 =	sld [smem:$0x3F99]  }
0x1a: {  	s8 =	sadd.s32 $0xFFFFE003, lr  }
0x1b: {  	s9 =	sadd.s32 $0xFFFFFEF7, lr;
	s5 =	simm.s32 $0xFFFFFFFF;
	p2 =	slt.u32 s8, $0xFFFFF086  }
0x1c: {  	p1 =	slt.u32 s9, $0xF7A;
	s5 =	simm.s32 @!p2 $0x0  }
0x1d: {  	s5 =	simm.s32 @p1 $0x1;
	p0 =	seq.s32 s7, s2  }
0x1e: {  	s7 =	smul.u32 @!p0 $0xF7A, s2;
	p2 =	seq.s32 @!p0 s5, $0x0  }
0x1f: {  	s9 =	smul.u32 $0xF7A, s1;
	s8 =	simm.s32 @!p0 $0x1BF5;
	p2 =	por !p2, p0  }
0x20: {  	[sflag:s8] =	ssyncset.s32 @!p0 $0xFFFFF086;
	s6 =	sadd.s32 @!p0 s3, s7;
	s7 =	simm.s32 @!p0 $0x108  }
0x21: {  	s3 =	sadd.s32 s3, s9;
	s6 =	sadd.s32 @!p0 $0x88, s6;
	s7 =	simm.s32 @p2 $0x1082  }
0x22: {  	[simem:s7], [sflag:s8] =	dma.local @!p0 [hbm:s6], $0xF7A  }
0x23: {  	s9 =	sor.u32 $0xD0000000, s2;
	s6 =	simm.s32 $0x108;
	_ =	swait.ge @!p0 [sflag:s8], $0x0  }
0x24: {  	s3 =	sadd.s32 $0x88, s3;
	s6 =	simm.s32 @!p1 $0x1082;
	[sflag:s4] =	ssyncset.s32 $0xFFFFF086  }
0x25: {  	[simem:s6], [sflag:s4] =	dma.local [hbm:s3], $0xF7A  }
0x26: {  	[smem:$0x3F99] =	sst s1;
	(tag) =	ssettag s2;
	_ =	strace s9  }
0x27: {  	s1 =	sld [smem:$0x3FA9]  }
0x28: {  	s2 =	sld [smem:$0x3FAA]  }
0x29: {  	s4 =	sld [smem:$0x3FAC]  }
0x2a: {  	p0 =	seq.s32 s5, $0x0;
	s5 =	sld [smem:$0x3FAD]  }
0x2b: {  	s6 =	sld [smem:$0x3FAE]  }
0x2c: {  	s7 =	sld [smem:$0x3FAF]  }
0x2d: {  	s3 =	simm.s32 $0x108;
	s8 =	sld [smem:$0x3FB0]  }
0x2e: {  	s3 =	simm.s32 @!p0 $0x1082;
	s9 =	sld [smem:$0x3FB1]  }
0x2f: {  	lr =	sadd.s32 s0, s3;
	s0 =	sld [smem:$0x3FA8]  }
0x30: {  	s3 =	sld [smem:$0x3FAB]  }
0x31: {  	[smem:$0x3FB4] =	sst s10  }
0x32: {  	s10 =	sld [smem:$0x3FB2];
	_ =	sdelay $0x3  }
0x33: {  	p0 =	seq.s32 s10, $0x1;
	s10 =	sld [smem:$0x3FB4];
	_ =	sdelay $0x3  }
0x34: {  	[smem:$0x3FB4] =	sst s10  }
0x35: {  	s10 =	sld [smem:$0x3FB3];
	_ =	sdelay $0x3  }
0x36: {  	p1 =	seq.s32 s10, $0x1;
	s10 =	sld [smem:$0x3FB4];
	_ =	sdelay $0x3  }
0x37: {  	[smem:$0x3FB4] =	sst s10  }
0x38: {  	s10 =	sld [smem:$0x3FB5]  }
0x39: {  	_ = 	snop;
	(pc) =	sbr.ind lr, $3  }
0x3a: {  	_ = 	snop  }
0x3b: {  	_ = 	snop  }
0x3c: {  	p2 =	seq.s32 s10, $0x1;
	s10 =	sld [smem:$0x3FB4]  }
0x3d: {  	_ =	shalt  }
0x3e: {  	_ =	shalt  }
0x3f: {  	_ =	shalt  }
0x40: {  	_ =	shalt  }
0x41: {  	_ =	shalt  }
0x42: {  	_ =	shalt  }
0x43: {  	_ =	shalt  }
0x44: {  	_ =	shalt  }
0x45: {  	_ =	shalt  }
0x46: {  	_ =	shalt  }
0x47: {  	_ =	shalt  }
0x48: {  	_ =	shalt  }
0x49: {  	_ =	shalt  }
0x4a: {  	_ =	shalt  }
0x4b: {  	_ =	shalt  }
0x4c: {  	_ =	shalt  }
0x4d: {  	_ =	shalt  }
0x4e: {  	_ =	shalt  }
0x4f: {  	_ =	shalt  }
0x50: {  	_ =	shalt  }
0x51: {  	_ =	shalt  }
0x52: {  	_ =	shalt  }
0x53: {  	_ =	shalt  }
0x54: {  	_ =	shalt  }
0x55: {  	_ =	shalt  }
0x56: {  	_ =	shalt  }
0x57: {  	_ =	shalt  }
0x58: {  	_ =	shalt  }
0x59: {  	_ =	shalt  }
0x5a: {  	_ =	shalt  }
0x5b: {  	_ =	shalt  }
0x5c: {  	_ =	shalt  }
0x5d: {  	_ =	shalt  }
0x5e: {  	_ =	shalt  }
0x5f: {  	_ =	shalt  }
0x60: {  	_ =	shalt  }
0x61: {  	_ =	shalt  }
0x62: {  	_ =	shalt  }
0x63: {  	_ =	shalt  }
0x64: {  	_ =	shalt  }
0x65: {  	_ =	shalt  }
0x66: {  	_ =	shalt  }
0x67: {  	_ =	shalt  }
0x68: {  	_ =	shalt  }
0x69: {  	_ =	shalt  }
0x6a: {  	_ =	shalt  }
0x6b: {  	_ =	shalt  }
0x6c: {  	_ =	shalt  }
0x6d: {  	_ =	shalt  }
0x6e: {  	_ =	shalt  }
0x6f: {  	_ =	shalt  }
0x70: {  	_ =	shalt  }
0x71: {  	_ =	shalt  }
0x72: {  	_ =	shalt  }
0x73: {  	_ =	shalt  }
0x74: {  	_ =	shalt  }
0x75: {  	_ =	shalt  }
0x76: {  	_ =	shalt  }
0x77: {  	_ =	shalt  }
0x78: {  	_ =	shalt  }
0x79: {  	_ =	shalt  }
0x7a: {  	_ =	shalt  }
0x7b: {  	_ =	shalt  }
0x7c: {  	_ =	shalt  }
0x7d: {  	_ =	shalt  }
0x7e: {  	_ =	shalt  }
0x7f: {  	_ =	shalt  }
0x80: {  	_ =	shalt  }
0x81: {  	_ =	shalt  }
0x82: {  	_ =	shalt  }
0x83: {  	_ =	shalt  }
0x84: {  	_ =	shalt  }
0x85: {  	_ =	shalt  }
0x86: {  	_ =	shalt  }
0x87: {  	_ =	shalt  }
.Lfunc_end0:
.L_simem_size_0:
called_computation.1_lowered:
.L_overlay_start_0:
0x88: {  	s2 =	sld [smem:$0x3FD9]  }
0x89: {  	s3 =	sld [smem:$0x3FFE];
	_ =	sdelay $0x1  }
0x8a: {  	s1 =	srdreg.scid  }
0x8b: {  	s0 =	sand.u32 $0x1, s1  }
0x8c: {  	s16 =	sshll.u32 s0, $0xA;
	s2 =	sadd.s32 s3, s2  }
0x8d: {  	s2 =	sadd.s32 s2, s16  }
0x8e: {  	[smem:$0x3FC0] =	sst s2  }
0x8f: {  	_ = 	snop  }
0x90: {  	(tm) =	ssettm $0x1  }
0x91: {  	s17 =	sld [smem:$0x3FFB];
	_ =	sdelay $0x3  }
0x92: {  	_ =	strace s17  }
0x93: {  	s2 =	sld [smem:$0x3FFC];
	_ =	sdelay $0x3  }
0x94: {  	_ =	strace s2  }
0x95: {  	s2 =	sld [smem:$0x3FFD];
	_ =	sdelay $0x3  }
0x96: {  	_ =	strace s2  }
0x97: {  	_ =	strace $0x8FFFFFFF  }
0x98: {  	s18 =	sld [smem:$0x3FDB];
	_ =	sdelay $0x1  }
0x99: {  	s19 =	simm.s32 $_scs_section_size  }
0x9a: {  	s4 =	simm.s32 $_size__tile_overlayer_lowered;
	s5 =	simm.s32 $_tile_overlayer_lowered  }
0x9b: {  	s22 =	simm.s32 $0x1BFF;
	s21 =	sshll.u32 s5, $0x1;
	s2 =	sadd.s32 s19, s18  }
0x9c: {  	s6 =	simm.s32 $0x0;
	s20 =	sshll.u32 s4, $0x1;
	s4 =	sadd.s32 s21, s2  }
0x9d: {  	[timem:s6], [sflag:s22] =	dma.local [hbm:s4], s20  }
0x9e: {  	_ =	swait.ge [sflag:s22], s20  }
0x9f: {  	s3 =	ssub.s32 $0x0, s20;
	[sflag:s22] =	ssyncset.done $0x0  }
0xa0: {  	[sflag:s22] =	ssyncadd.s32 s3;
	_ =	sdelay $0x1  }
0xa1: {  	s23 =	simm.s32 $0x1B8B  }
0xa2: {  	_ =	swait.ge [sflag:s23], $0x1  }
0xa3: {  	[sflag:s23] =	ssyncset.done $0x0  }
0xa4: {  	s25 =	simm.s32 $0x1B8E;
	s24 =	sld [smem:$0x3FFE];
	[sflag:s23] =	ssyncadd.s32 $0xFFFFFFFF  }
0xa5: {  	s26 =	simm.s32 $execute0_lowered;
	[smem:$0x3FD2] =	sst s25  }
0xa6: {  	s4 =	sshll.u32 s26, $0x1;
	_ =	strace $0x80000049;
	[dreg:$0x1] =	wrdreg $0xFFFFFFFF  }
0xa7: {  	s28 =	simm.s32 $_size_execute0_lowered;
	s2 =	sadd.s32 s2, s4;
	[dreg:$0x0] =	wrdreg $0x0  }
0xa8: {  	s4 =	sshll.u32 s28, $0x1;
	[dreg:$0x2] =	wrdreg s2  }
0xa9: {  	[dreg:$0x3] =	wrdreg s4  }
0xaa: {  	[dreg:$0x4] =	wrdreg $0xC0  }
0xab: {  	_ =	task [dreg:s6], $0x5FFFF  }
0xac: {  	[dreg:$0x1] =	wrdreg $0xFFFFFFFF  }
0xad: {  	[dreg:$0x0] =	wrdreg $0x60  }
0xae: {  	[dreg:$0x2] =	wrdreg s24  }
0xaf: {  	[dreg:$0x3] =	wrdreg $0x126000  }
0xb0: {  	[dreg:$0x4] =	wrdreg $0x9  }
0xb1: {  	_ =	task.clear_ibuf [dreg:s6], $0x5FFFF;
	_ =	strace $0x90000049  }
0xb2: {  	s29 =	simm.s32 $0x9;
	_ =	strace $0x8000004B  }
0xb3: {  	_ =	swait.ge [sflag:s29], $0x1  }
0xb4: {  	[sflag:s29] =	ssyncadd.s32 $0xFFFFFFFF  }
0xb5: {  	_ =	strace $0x9000004B  }
0xb6: {  	_ =	sfence  }
0xb7: {  	s30 =	sld [smem:$0x0];
	_ =	sdelay $0x2  }
0xb8: {  	s31 =	sshll.u32 s1, $0xD;
	s1 =	sshrl.u32 s1, $0x2  }
0xb9: {  	s3 =	sand.u32 $0x4000, s31;
	s1 =	sadd.s32 s1, s30  }
0xba: {  	s0 =	sor.u32 s3, s0;
	s1 =	sshll.u32 s1, $0x11  }
0xbb: {  	s0 =	sor.u32 s1, s0  }
0xbc: {  	s0 =	sadd.s32 $0x8F2B, s0  }
0xbd: {  	[sflag:s0] =	ssyncadd.remote.s32 $0x1  }
0xbe: {  	_ =	sfence.sel $0xFFFF  }
0xbf: {  	[dreg:$0x0] =	wrdreg $0xFFFFFFFF;
	(pc) =	sbr.abs _section_cstart, $3  }
0xc0: {  	[dreg:$0x1] =	wrdreg $0xFFFFFFFF  }
0xc1: {  	_ =	task.clear_ibuf [dreg:s6], $0x2FFFF;
	_ =	strace $0x9FFFFFFF  }
0xc2: {  	(tm) =	ssettm $0x7FFFFFFF  }
0xc3: {  	_ =	shalt  }
tec
execute0_lowered:
.L_overlay_start_1:
0x0: {  	(tag) =	ssettag $0x1  }
0x1: {  	s0 =	srdreg.scid  }
0x2: {  	s29 =	sand.u32 $0x1, s0  }
0x3: {  	s3 =	stileid.u32;
	s0 =	sshll.u32 s29, $0x4  }
0x4: {  	s1 =	sor.u32 s3, s0  }
0x5: {  	s1 =	sshrl.u32 s1, $0x3  }
0x6: {  	s2 =	sshll.u32 s3, $0x7;
	s4 =	smul.u32 $0x31000, s1  }
0x7: {  	s28 =	rddreg [dreg:$0x0];
	s5 =	sand.u32 $0x380, s2;
	s2 =	simm.s32 $0x0  }
0x8: {  	[smem:$0x7FF] =	sst s2;
	s4 =	sor.u32 s5, s4  }
0x9: {  	s23 =	sadd.s32 $0x1AC00, s28;
	s1 =	rddreg [dreg:$0x1];
	s4 =	sshrl.u32 s4, $0x3  }
0xa: {  	_ =	strace $0x8000004A;
	[dreg:$0x3] =	wrdreg s23;
	s4 =	sadd.s32 s4, s28  }
0xb: {  	s9 =	rddreg [dreg:$0x3];
	s24 =	sadd.s32 $0x1F800, s4  }
0xc: {  	p0 =	sne.s32 s3, $0x0;
	s4 =	sadd.s32 $0x2400, s4;
	[dreg:$0x4] =	wrdreg s24  }
0xd: {  	s6 =	simm.s32 $0x6200;
	s8 =	simm.s32 @!p0 $0x1C08;
	[dreg:$0x5] =	wrdreg s4  }
0xe: {  	s3 =	simm.s32 $0x80;
	s4 =	simm.s32 $0x400;
	s5 =	rddreg [dreg:$0x4]  }
0xf: {  	[tilespmem:s2], [sflag:$0x1] =	stream.strided.gather [hbm4b:s5+s3], $0x6200, s4, s3, $0x38;
	[tilespmem:$0x13238] =	vst v63  }
0x10: {  	s7 =	sshrl.u32 @!p0 s1, $0x3;
	s10 =	rddreg [dreg:$0x5];
	s5 =	simm.s32 @!p0 $0x8  }
0x11: {  	[tilespmem:s6], [sflag:$0x2] =	stream.strided.gather [hbm4b:s10+s3], $0x6200, s4, s3, $0x38;
	[tilespmem:$0x13238] =	vst v63  }
0x12: {  	[spmem:s7], [sflag:s8] =	dma.local @!p0 [hbm:s9], $0x1870  }
0x13: {  	_ =	swait.ge @!p0 [sflag:s5], $0x1870  }
0x14: {  	[sflag:s5] =	ssyncset.done @!p0 $0x0  }
0x15: {  	s9 =	simm.s32 $0x1;
	[sflag:s5] =	ssyncadd.s32 @!p0 $0xFFFFE790  }
0x16: {  	_ =	swait.ge [sflag:s9], $0x6200  }
0x17: {  	s11 =	simm.s32 $0x1880;
	s12 =	simm.s32 $0xC400;
	[sflag:s9] =	ssyncset.done $0x0  }
0x18: {  	s13 =	simm.s32 $0x2;
	s10 =	sadd.s32 $0x1C600, s28;
	[sflag:s9] =	ssyncadd.s32 $0xFFFF9E00  }
0x19: {  	[tilespmem:s12], [sflag:$0x3] =	stream.indirect.gather [hbm4b:s10+s11], $0x1, s2, s11, $0xb8;
	[tilespmem:$0x13238] =	vst v63  }
0x1a: {  	_ =	swait.ge [sflag:s13], $0x6200  }
0x1b: {  	[sflag:s13] =	ssyncset.done $0x0  }
0x1c: {  	[sflag:s13] =	ssyncadd.s32 $0xFFFF9E00  }
0x1d: {  	s14 =	simm.s32 $0xDC80;
	s15 =	simm.s32 $0x3;
	[bflag:$0x0] =	sbarrier.arrive $0xFFFF  }
0x1e: {  	[tilespmem:s14], [sflag:$0x4] =	stream.indirect.gather [hbm4b:s10+s11], $0x1, s11, s11, $0xb8;
	[tilespmem:$0x13238] =	vst v63  }
0x1f: {  	_ =	swait.ge [sflag:s15], $0x1880  }
0x20: {  	[sflag:s15] =	ssyncset.done $0x0  }
0x21: {  	[sflag:s15] =	ssyncadd.s32 $0xFFFFE780  }
0x22: {  	[spmem:s1] =	stream.indirect.scatter.add.f32 [tilespmem:s12], [sflag:$0x7], $0x1, s6, s11, $0xb8;
	[tilespmem:$0x13238] =	vst v63  }
0x23: {  	s16 =	simm.s32 $0x3100;
	s17 =	simm.s32 $0xF500;
	s18 =	simm.s32 $0x4  }
0x24: {  	[tilespmem:s17], [sflag:$0x5] =	stream.indirect.gather [hbm4b:s10+s11], $0x1, s16, s11, $0xb8;
	[tilespmem:$0x13238] =	vst v63  }
0x25: {  	_ =	swait.ge [sflag:s18], $0x1880  }
0x26: {  	[sflag:s18] =	ssyncset.done $0x0  }
0x27: {  	s25 =	simm.s32 $0x7A80;
	[sflag:s18] =	ssyncadd.s32 $0xFFFFE780  }
0x28: {  	[spmem:s1] =	stream.indirect.scatter.add.f32 [tilespmem:s14], [sflag:$0x7], $0x1, s25, s11, $0xb8;
	[tilespmem:$0x13238] =	vst v63  }
0x29: {  	s26 =	simm.s32 $0x4980;
	s21 =	simm.s32 $0x10D80;
	s22 =	simm.s32 $0x5  }
0x2a: {  	[tilespmem:s21], [sflag:$0x6] =	stream.indirect.gather [hbm4b:s10+s11], $0x1, s26, s11, $0xb8;
	[tilespmem:$0x13238] =	vst v63  }
0x2b: {  	_ =	swait.ge [sflag:s22], $0x1880  }
0x2c: {  	[sflag:s22] =	ssyncset.done $0x0  }
0x2d: {  	s23 =	simm.s32 $0x9300;
	s24 =	simm.s32 $0x6;
	[sflag:s22] =	ssyncadd.s32 $0xFFFFE780  }
0x2e: {  	[spmem:s1] =	stream.indirect.scatter.add.f32 [tilespmem:s17], [sflag:$0x7], $0x1, s23, s11, $0xb8;
	[tilespmem:$0x13238] =	vst v63  }
0x2f: {  	_ =	swait.ge [sflag:s24], $0x1880  }
0x30: {  	[sflag:s24] =	ssyncset.done $0x0  }
0x31: {  	s25 =	simm.s32 $0xAB80;
	s26 =	simm.s32 $0x7;
	[sflag:s24] =	ssyncadd.s32 $0xFFFFE780  }
0x32: {  	[spmem:s1] =	stream.indirect.scatter.add.f32 [tilespmem:s21], [sflag:$0x7], $0x1, s25, s11, $0xb8;
	[tilespmem:$0x13238] =	vst v63  }
0x33: {  	_ =	swait.ge [sflag:s26], $0x1880  }
0x34: {  	[sflag:s26] =	ssyncset.done $0x0  }
0x35: {  	[sflag:s26] =	ssyncadd.s32 $0xFFFFE780  }
0x36: {  	_ =	swait.ge [sflag:s26], $0x1880  }
0x37: {  	s29 =	ssub.s32 $0x2, s29;
	[sflag:s26] =	ssyncset.done $0x0  }
0x38: {  	s30 =	sshrl.u32 s29, $0x1;
	[sflag:s26] =	ssyncadd.s32 $0xFFFFE780  }
0x39: {  	s29 =	ssub.s32 s29, s30;
	_ =	swait.ge [sflag:s26], $0x1880  }
0x3a: {  	s29 =	smax.u32 s29, $0x1;
	[sflag:s26] =	ssyncset.done $0x0  }
0x3b: {  	s29 =	sadd.s32 $0xFFFFFFFF, s29;
	[sflag:s26] =	ssyncadd.s32 $0xFFFFE780  }
0x3c: {  	p1 =	sne.s32 s29, $0x0;
	_ =	swait.ge [sflag:s26], $0x1880  }
.Ltmp0:
0x3d: {  	s31 =	simm.s32 @!p0 $0x1;
	[sflag:s26] =	ssyncset.done $0x0;
	(pc) =	sbr.rel @!p1 .LBB2_2-.Ltmp0, $4  }
0x3e: {  	s0 =	sadd.s32 s0, s28;
	s30 =	simm.s32 @!p0 $0x10;
	[sflag:s26] =	ssyncadd.s32 $0xFFFFE780  }
0x3f: {  	s28 =	sadd.s32 $0x38000, s0;
	s0 =	simm.s32 @!p0 $0x20;
	[bflag:$0x0] =	sbarrier.arrive $0xFFFF  }
0x40: {  	[hbm:s28@s0], [sflag:s8] =	dma.strided @!p0 [spmem:s7@s30], $0x1870, s31, $0x10   }
0x41: {  	_ =	swait.ge @!p0 [sflag:s5], $0x1870  }
.LBB2_1:
0x42: {  	s16 =	rddreg [dreg:$0x4];
	[sflag:s5] =	ssyncset.done @!p0 $0x0  }
0x43: {  	s19 =	rddreg [dreg:$0x3];
	[sflag:s5] =	ssyncadd.s32 @!p0 $0xFFFFE790  }
0x44: {  	[tilespmem:s2], [sflag:$0x1] =	stream.strided.gather [hbm4b:s16+s3], $0x6200, s4, s3, $0x38;
	[tilespmem:$0x13238] =	vst v63  }
0x45: {  	s20 =	rddreg [dreg:$0x5]  }
0x46: {  	[tilespmem:s6], [sflag:$0x2] =	stream.strided.gather [hbm4b:s20+s3], $0x6200, s4, s3, $0x38;
	[tilespmem:$0x13238] =	vst v63  }
0x47: {  	[spmem:s7], [sflag:s8] =	dma.local @!p0 [hbm:s19], $0x1870  }
0x48: {  	_ =	swait.ge @!p0 [sflag:s5], $0x1870  }
0x49: {  	[sflag:s5] =	ssyncset.done @!p0 $0x0  }
0x4a: {  	[sflag:s5] =	ssyncadd.s32 @!p0 $0xFFFFE790  }
0x4b: {  	_ =	swait.ge [sflag:s9], $0x6200  }
0x4c: {  	[sflag:s9] =	ssyncset.done $0x0  }
0x4d: {  	[sflag:s9] =	ssyncadd.s32 $0xFFFF9E00  }
0x4e: {  	[tilespmem:s12], [sflag:$0x3] =	stream.indirect.gather [hbm4b:s10+s11], $0x1, s2, s11, $0xb8;
	[tilespmem:$0x13238] =	vst v63  }
0x4f: {  	_ =	swait.ge [sflag:s13], $0x6200  }
0x50: {  	[sflag:s13] =	ssyncset.done $0x0  }
0x51: {  	[sflag:s13] =	ssyncadd.s32 $0xFFFF9E00  }
0x52: {  	[bflag:$0x0] =	sbarrier.arrive $0xFFFF  }
0x53: {  	[tilespmem:s14], [sflag:$0x4] =	stream.indirect.gather [hbm4b:s10+s11], $0x1, s11, s11, $0xb8;
	[tilespmem:$0x13238] =	vst v63  }
0x54: {  	_ =	swait.ge [sflag:s15], $0x1880  }
0x55: {  	[sflag:s15] =	ssyncset.done $0x0  }
0x56: {  	[sflag:s15] =	ssyncadd.s32 $0xFFFFE780  }
0x57: {  	[spmem:s1] =	stream.indirect.scatter.add.f32 [tilespmem:s12], [sflag:$0x7], $0x1, s6, s11, $0xb8;
	[tilespmem:$0x13238] =	vst v63  }
0x58: {  	s20 =	simm.s32 $0x3100  }
0x59: {  	[tilespmem:s17], [sflag:$0x5] =	stream.indirect.gather [hbm4b:s10+s11], $0x1, s20, s11, $0xb8;
	[tilespmem:$0x13238] =	vst v63  }
0x5a: {  	_ =	swait.ge [sflag:s18], $0x1880  }
0x5b: {  	[sflag:s18] =	ssyncset.done $0x0  }
0x5c: {  	s19 =	simm.s32 $0x7A80;
	[sflag:s18] =	ssyncadd.s32 $0xFFFFE780  }
0x5d: {  	[spmem:s1] =	stream.indirect.scatter.add.f32 [tilespmem:s14], [sflag:$0x7], $0x1, s19, s11, $0xb8;
	[tilespmem:$0x13238] =	vst v63  }
0x5e: {  	s20 =	simm.s32 $0x4980  }
0x5f: {  	[tilespmem:s21], [sflag:$0x6] =	stream.indirect.gather [hbm4b:s10+s11], $0x1, s20, s11, $0xb8;
	[tilespmem:$0x13238] =	vst v63  }
0x60: {  	_ =	swait.ge [sflag:s22], $0x1880  }
0x61: {  	[sflag:s22] =	ssyncset.done $0x0  }
0x62: {  	[sflag:s22] =	ssyncadd.s32 $0xFFFFE780  }
0x63: {  	[spmem:s1] =	stream.indirect.scatter.add.f32 [tilespmem:s17], [sflag:$0x7], $0x1, s23, s11, $0xb8;
	[tilespmem:$0x13238] =	vst v63  }
0x64: {  	_ =	swait.ge [sflag:s24], $0x1880  }
0x65: {  	[sflag:s24] =	ssyncset.done $0x0  }
0x66: {  	[sflag:s24] =	ssyncadd.s32 $0xFFFFE780  }
0x67: {  	[spmem:s1] =	stream.indirect.scatter.add.f32 [tilespmem:s21], [sflag:$0x7], $0x1, s25, s11, $0xb8;
	[tilespmem:$0x13238] =	vst v63  }
0x68: {  	_ =	swait.ge [sflag:s26], $0x1880  }
0x69: {  	[sflag:s26] =	ssyncset.done $0x0  }
0x6a: {  	[sflag:s26] =	ssyncadd.s32 $0xFFFFE780  }
0x6b: {  	_ =	swait.ge [sflag:s26], $0x1880  }
0x6c: {  	[sflag:s26] =	ssyncset.done $0x0  }
0x6d: {  	[sflag:s26] =	ssyncadd.s32 $0xFFFFE780  }
0x6e: {  	_ =	swait.ge [sflag:s26], $0x1880  }
0x6f: {  	[sflag:s26] =	ssyncset.done $0x0  }
0x70: {  	s29 =	sadd.s32 $0xFFFFFFFF, s29;
	[sflag:s26] =	ssyncadd.s32 $0xFFFFE780  }
0x71: {  	p1 =	sne.s32 s29, $0x0;
	_ =	swait.ge [sflag:s26], $0x1880  }
.Ltmp1:
0x72: {  	[sflag:s26] =	ssyncset.done $0x0;
	(pc) =	sbr.rel @p1 .LBB2_1-.Ltmp1, $4  }
0x73: {  	[sflag:s26] =	ssyncadd.s32 $0xFFFFE780  }
0x74: {  	[bflag:$0x0] =	sbarrier.arrive $0xFFFF  }
0x75: {  	[hbm:s28@s0], [sflag:s8] =	dma.strided @!p0 [spmem:s7@s30], $0x1870, s31, $0x10   }
0x76: {  	_ =	swait.ge @!p0 [sflag:s5], $0x1870  }
.LBB2_2:
0x77: {  	[sflag:s5] =	ssyncset.done @!p0 $0x0  }
0x78: {  	[sflag:s5] =	ssyncadd.s32 @!p0 $0xFFFFE790  }
0x79: {  	_ =	sfence.sel $0x180000  }
0x7a: {  	[bflag:$0x0] =	sbarrier.arrive $0xFFFF  }
0x7b: {  	_ =	strace $0x9000004A  }
0x7c: {  	[bflag:$0x2] =	sbarrier.arrive $0xFFFF  }
0x7d: {  	s0 =	rddreg [dreg:$0x2]  }
0x7e: {  	s0 =	sadd.s32 @!p0 $0x100000, s0  }
0x7f: {  	[sflag:s0] =	ssyncadd.tile.s32 @!p0 $0x1;
	_ =	shalt  }
.Lfunc_end2:
_tile_overlayer_lowered:
.L_overlay_start_2:
0x80: {  	(tag) =	ssettag $0x2  }
0x81: {  	s0 =	rddreg [dreg:$0x0];
	s2 =	stileid.u32  }
0x82: {  	s1 =	rddreg [dreg:$0x1];
	p0 =	sne.s32 s2, $0x0  }
0x83: {  	s3 =	rddreg [dreg:$0x2];
	[bflag:$0x3] =	sbarrier.arrive $0xFFFF;
	s2 =	simm.s32 @!p0 $0x1C08  }
0x84: {  	[timem:s3], [sflag:s2] =	dma.local @!p0 [hbm:s0], s1  }
0x85: {  	s0 =	simm.s32 @!p0 $0x8  }
0x86: {  	_ =	swait.ge @!p0 [sflag:s0], s1  }
0x87: {  	s1 =	ssub.s32 @!p0 $0x0, s1;
	[sflag:s0] =	ssyncset.done @!p0 $0x0  }
0x88: {  	[sflag:s0] =	ssyncadd.s32 @!p0 s1  }
0x89: {  	[bflag:$0x3] =	sbarrier.arrive $0xFFFF  }
0x8a: {  	_ =	shalt  }

// kernel: kernel.14.cloned.1.call-start
scs
__scs_entry_jumppad:
0x0: {  	(pc) =	sbr.rel $0x88, $3  }
0x1: {  	(tag) =	ssettag $0x0;
	lr =	simm.s32 $0x1  }
0x2: {  	[smem:$0x3F99] =	sst lr;
	_ =	strace $0xD0000000  }
0x3: {  	_ = 	snop  }
0x4: {  	_ = 	snop  }
0x5: {  	_ = 	snop  }
0x6: {  	_ = 	snop  }
0x7: {  	_ = 	snop  }
__scs_overlays_trampoline_lowered:
0x8: {  	[smem:$0x3FA8] =	sst s0  }
0x9: {  	[smem:$0x3FA9] =	sst s1  }
0xa: {  	[smem:$0x3FAA] =	sst s2  }
0xb: {  	[smem:$0x3FAB] =	sst s3  }
0xc: {  	[smem:$0x3FAC] =	sst s4  }
0xd: {  	[smem:$0x3FAD] =	sst s5  }
0xe: {  	[smem:$0x3FAE] =	sst s6  }
0xf: {  	[smem:$0x3FAF] =	sst s7  }
0x10: {  	[smem:$0x3FB0] =	sst s8  }
0x11: {  	[smem:$0x3FB1] =	sst s9;
	s0 =	simm.s32 @!p0 $0x0  }
0x12: {  	s1 =	sld [smem:$0x3F97];
	s0 =	simm.s32 @p0 $0x1  }
0x13: {  	[smem:$0x3FB2] =	sst s0;
	s0 =	simm.s32 @!p1 $0x0  }
0x14: {  	s2 =	sld [smem:$0x3F96];
	s0 =	simm.s32 @p1 $0x1  }
0x15: {  	[smem:$0x3FB3] =	sst s0;
	s0 =	simm.s32 @!p2 $0x0  }
0x16: {  	s3 =	sld [smem:$0x3FDB];
	s0 =	simm.s32 @p2 $0x1  }
0x17: {  	s4 =	simm.s32 $0x1BF5;
	[smem:$0x3FB5] =	sst s0  }
0x18: {  	s0 =	sld [smem:$0x3F98];
	_ =	swait.ge [sflag:s4], $0x0  }
0x19: {  	s7 =	sld [smem:$0x3F99]  }
0x1a: {  	s8 =	sadd.s32 $0xFFFFE003, lr  }
0x1b: {  	s9 =	sadd.s32 $0xFFFFFEF7, lr;
	s5 =	simm.s32 $0xFFFFFFFF;
	p2 =	slt.u32 s8, $0xFFFFF086  }
0x1c: {  	p1 =	slt.u32 s9, $0xF7A;
	s5 =	simm.s32 @!p2 $0x0  }
0x1d: {  	s5 =	simm.s32 @p1 $0x1;
	p0 =	seq.s32 s7, s2  }
0x1e: {  	s7 =	smul.u32 @!p0 $0xF7A, s2;
	p2 =	seq.s32 @!p0 s5, $0x0  }
0x1f: {  	s9 =	smul.u32 $0xF7A, s1;
	s8 =	simm.s32 @!p0 $0x1BF5;
	p2 =	por !p2, p0  }
0x20: {  	[sflag:s8] =	ssyncset.s32 @!p0 $0xFFFFF086;
	s6 =	sadd.s32 @!p0 s3, s7;
	s7 =	simm.s32 @!p0 $0x108  }
0x21: {  	s3 =	sadd.s32 s3, s9;
	s6 =	sadd.s32 @!p0 $0x88, s6;
	s7 =	simm.s32 @p2 $0x1082  }
0x22: {  	[simem:s7], [sflag:s8] =	dma.local @!p0 [hbm:s6], $0xF7A  }
0x23: {  	s9 =	sor.u32 $0xD0000000, s2;
	s6 =	simm.s32 $0x108;
	_ =	swait.ge @!p0 [sflag:s8], $0x0  }
0x24: {  	s3 =	sadd.s32 $0x88, s3;
	s6 =	simm.s32 @!p1 $0x1082;
	[sflag:s4] =	ssyncset.s32 $0xFFFFF086  }
0x25: {  	[simem:s6], [sflag:s4] =	dma.local [hbm:s3], $0xF7A  }
0x26: {  	[smem:$0x3F99] =	sst s1;
	(tag) =	ssettag s2;
	_ =	strace s9  }
0x27: {  	s1 =	sld [smem:$0x3FA9]  }
0x28: {  	s2 =	sld [smem:$0x3FAA]  }
0x29: {  	s4 =	sld [smem:$0x3FAC]  }
0x2a: {  	p0 =	seq.s32 s5, $0x0;
	s5 =	sld [smem:$0x3FAD]  }
0x2b: {  	s6 =	sld [smem:$0x3FAE]  }
0x2c: {  	s7 =	sld [smem:$0x3FAF]  }
0x2d: {  	s3 =	simm.s32 $0x108;
	s8 =	sld [smem:$0x3FB0]  }
0x2e: {  	s3 =	simm.s32 @!p0 $0x1082;
	s9 =	sld [smem:$0x3FB1]  }
0x2f: {  	lr =	sadd.s32 s0, s3;
	s0 =	sld [smem:$0x3FA8]  }
0x30: {  	s3 =	sld [smem:$0x3FAB]  }
0x31: {  	[smem:$0x3FB4] =	sst s10  }
0x32: {  	s10 =	sld [smem:$0x3FB2];
	_ =	sdelay $0x3  }
0x33: {  	p0 =	seq.s32 s10, $0x1;
	s10 =	sld [smem:$0x3FB4];
	_ =	sdelay $0x3  }
0x34: {  	[smem:$0x3FB4] =	sst s10  }
0x35: {  	s10 =	sld [smem:$0x3FB3];
	_ =	sdelay $0x3  }
0x36: {  	p1 =	seq.s32 s10, $0x1;
	s10 =	sld [smem:$0x3FB4];
	_ =	sdelay $0x3  }
0x37: {  	[smem:$0x3FB4] =	sst s10  }
0x38: {  	s10 =	sld [smem:$0x3FB5]  }
0x39: {  	_ = 	snop;
	(pc) =	sbr.ind lr, $3  }
0x3a: {  	_ = 	snop  }
0x3b: {  	_ = 	snop  }
0x3c: {  	p2 =	seq.s32 s10, $0x1;
	s10 =	sld [smem:$0x3FB4]  }
0x3d: {  	_ =	shalt  }
0x3e: {  	_ =	shalt  }
0x3f: {  	_ =	shalt  }
0x40: {  	_ =	shalt  }
0x41: {  	_ =	shalt  }
0x42: {  	_ =	shalt  }
0x43: {  	_ =	shalt  }
0x44: {  	_ =	shalt  }
0x45: {  	_ =	shalt  }
0x46: {  	_ =	shalt  }
0x47: {  	_ =	shalt  }
0x48: {  	_ =	shalt  }
0x49: {  	_ =	shalt  }
0x4a: {  	_ =	shalt  }
0x4b: {  	_ =	shalt  }
0x4c: {  	_ =	shalt  }
0x4d: {  	_ =	shalt  }
0x4e: {  	_ =	shalt  }
0x4f: {  	_ =	shalt  }
0x50: {  	_ =	shalt  }
0x51: {  	_ =	shalt  }
0x52: {  	_ =	shalt  }
0x53: {  	_ =	shalt  }
0x54: {  	_ =	shalt  }
0x55: {  	_ =	shalt  }
0x56: {  	_ =	shalt  }
0x57: {  	_ =	shalt  }
0x58: {  	_ =	shalt  }
0x59: {  	_ =	shalt  }
0x5a: {  	_ =	shalt  }
0x5b: {  	_ =	shalt  }
0x5c: {  	_ =	shalt  }
0x5d: {  	_ =	shalt  }
0x5e: {  	_ =	shalt  }
0x5f: {  	_ =	shalt  }
0x60: {  	_ =	shalt  }
0x61: {  	_ =	shalt  }
0x62: {  	_ =	shalt  }
0x63: {  	_ =	shalt  }
0x64: {  	_ =	shalt  }
0x65: {  	_ =	shalt  }
0x66: {  	_ =	shalt  }
0x67: {  	_ =	shalt  }
0x68: {  	_ =	shalt  }
0x69: {  	_ =	shalt  }
0x6a: {  	_ =	shalt  }
0x6b: {  	_ =	shalt  }
0x6c: {  	_ =	shalt  }
0x6d: {  	_ =	shalt  }
0x6e: {  	_ =	shalt  }
0x6f: {  	_ =	shalt  }
0x70: {  	_ =	shalt  }
0x71: {  	_ =	shalt  }
0x72: {  	_ =	shalt  }
0x73: {  	_ =	shalt  }
0x74: {  	_ =	shalt  }
0x75: {  	_ =	shalt  }
0x76: {  	_ =	shalt  }
0x77: {  	_ =	shalt  }
0x78: {  	_ =	shalt  }
0x79: {  	_ =	shalt  }
0x7a: {  	_ =	shalt  }
0x7b: {  	_ =	shalt  }
0x7c: {  	_ =	shalt  }
0x7d: {  	_ =	shalt  }
0x7e: {  	_ =	shalt  }
0x7f: {  	_ =	shalt  }
0x80: {  	_ =	shalt  }
0x81: {  	_ =	shalt  }
0x82: {  	_ =	shalt  }
0x83: {  	_ =	shalt  }
0x84: {  	_ =	shalt  }
0x85: {  	_ =	shalt  }
0x86: {  	_ =	shalt  }
0x87: {  	_ =	shalt  }
.Lfunc_end0:
.L_simem_size_0:
called_computation.2_lowered:
.L_overlay_start_0:
0x88: {  	s2 =	sld [smem:$0x3FD9]  }
0x89: {  	s3 =	sld [smem:$0x3FFE];
	_ =	sdelay $0x1  }
0x8a: {  	s1 =	srdreg.scid  }
0x8b: {  	s0 =	sand.u32 $0x1, s1  }
0x8c: {  	s16 =	sshll.u32 s0, $0xA;
	s2 =	sadd.s32 s3, s2  }
0x8d: {  	s2 =	sadd.s32 s2, s16  }
0x8e: {  	[smem:$0x3FC0] =	sst s2  }
0x8f: {  	_ = 	snop  }
0x90: {  	(tm) =	ssettm $0x1  }
0x91: {  	s17 =	sld [smem:$0x3FFB];
	_ =	sdelay $0x3  }
0x92: {  	_ =	strace s17  }
0x93: {  	s2 =	sld [smem:$0x3FFC];
	_ =	sdelay $0x3  }
0x94: {  	_ =	strace s2  }
0x95: {  	s2 =	sld [smem:$0x3FFD];
	_ =	sdelay $0x3  }
0x96: {  	_ =	strace s2  }
0x97: {  	_ =	strace $0x8FFFFFFF  }
0x98: {  	s18 =	sld [smem:$0x3FDB];
	_ =	sdelay $0x1  }
0x99: {  	s19 =	simm.s32 $_scs_section_size  }
0x9a: {  	s4 =	simm.s32 $_size__tile_overlayer_lowered;
	s5 =	simm.s32 $_tile_overlayer_lowered  }
0x9b: {  	s22 =	simm.s32 $0x1BFF;
	s21 =	sshll.u32 s5, $0x1;
	s2 =	sadd.s32 s19, s18  }
0x9c: {  	s6 =	simm.s32 $0x0;
	s20 =	sshll.u32 s4, $0x1;
	s4 =	sadd.s32 s21, s2  }
0x9d: {  	[timem:s6], [sflag:s22] =	dma.local [hbm:s4], s20  }
0x9e: {  	_ =	swait.ge [sflag:s22], s20  }
0x9f: {  	s3 =	ssub.s32 $0x0, s20;
	[sflag:s22] =	ssyncset.done $0x0  }
0xa0: {  	[sflag:s22] =	ssyncadd.s32 s3;
	_ =	sdelay $0x1  }
0xa1: {  	s23 =	simm.s32 $0x1B8B  }
0xa2: {  	_ =	swait.ge [sflag:s23], $0x1  }
0xa3: {  	[sflag:s23] =	ssyncset.done $0x0  }
0xa4: {  	s25 =	simm.s32 $0x1B8E;
	s24 =	sld [smem:$0x3FFE];
	[sflag:s23] =	ssyncadd.s32 $0xFFFFFFFF  }
0xa5: {  	s26 =	simm.s32 $execute0_lowered;
	[smem:$0x3FD2] =	sst s25  }
0xa6: {  	s4 =	sshll.u32 s26, $0x1;
	_ =	strace $0x8000004C;
	[dreg:$0x1] =	wrdreg $0xFFFFFFFF  }
0xa7: {  	s28 =	simm.s32 $_size_execute0_lowered;
	s2 =	sadd.s32 s2, s4;
	[dreg:$0x0] =	wrdreg $0x0  }
0xa8: {  	s4 =	sshll.u32 s28, $0x1;
	[dreg:$0x2] =	wrdreg s2  }
0xa9: {  	[dreg:$0x3] =	wrdreg s4  }
0xaa: {  	[dreg:$0x4] =	wrdreg $0xC0  }
0xab: {  	_ =	task [dreg:s6], $0x5FFFF  }
0xac: {  	[dreg:$0x1] =	wrdreg $0xFFFFFFFF  }
0xad: {  	[dreg:$0x0] =	wrdreg $0x60  }
0xae: {  	[dreg:$0x2] =	wrdreg s24  }
0xaf: {  	[dreg:$0x3] =	wrdreg $0x188000  }
0xb0: {  	[dreg:$0x4] =	wrdreg $0x194380  }
0xb1: {  	[dreg:$0x5] =	wrdreg $0x9  }
0xb2: {  	_ =	task.clear_ibuf [dreg:s6], $0x6FFFF;
	_ =	strace $0x9000004C  }
0xb3: {  	s29 =	simm.s32 $0x9;
	_ =	strace $0x8000004E  }
0xb4: {  	_ =	swait.ge [sflag:s29], $0x1  }
0xb5: {  	[sflag:s29] =	ssyncadd.s32 $0xFFFFFFFF  }
0xb6: {  	_ =	strace $0x9000004E  }
0xb7: {  	_ =	sfence  }
0xb8: {  	s30 =	sld [smem:$0x0];
	_ =	sdelay $0x2  }
0xb9: {  	s31 =	sshll.u32 s1, $0xD;
	s1 =	sshrl.u32 s1, $0x2  }
0xba: {  	s3 =	sand.u32 $0x4000, s31;
	s1 =	sadd.s32 s1, s30  }
0xbb: {  	s0 =	sor.u32 s3, s0;
	s1 =	sshll.u32 s1, $0x11  }
0xbc: {  	s0 =	sor.u32 s1, s0  }
0xbd: {  	s0 =	sadd.s32 $0x8F2B, s0  }
0xbe: {  	[sflag:s0] =	ssyncadd.remote.s32 $0x1  }
0xbf: {  	_ =	sfence.sel $0xFFFF  }
0xc0: {  	[dreg:$0x0] =	wrdreg $0xFFFFFFFF;
	(pc) =	sbr.abs _section_cstart, $3  }
0xc1: {  	[dreg:$0x1] =	wrdreg $0xFFFFFFFF  }
0xc2: {  	_ =	task.clear_ibuf [dreg:s6], $0x2FFFF;
	_ =	strace $0x9FFFFFFF  }
0xc3: {  	(tm) =	ssettm $0x7FFFFFFF  }
tec
execute0_lowered:
.L_overlay_start_1:
0x0: {  	(tag) =	ssettag $0x1  }
0x1: {  	s6 =	rddreg [dreg:$0x0]  }
0x2: {  	s0 =	srdreg.scid;
	s4 =	rddreg [dreg:$0x1]  }
0x3: {  	s1 =	stileid.u32;
	s22 =	rddreg [dreg:$0x3];
	s16 =	simm.s32 $0x0  }
0x4: {  	s18 =	simm.s32 $0x80;
	s28 =	simm.s32 $0x6200;
	s14 =	simm.s32 $0x12600  }
0x5: {  	s29 =	simm.s32 $0xDC80;
	s21 =	simm.s32 $0x7;
	p1 =	por $0x0, $0x0  }
0x6: {  	s19 =	simm.s32 $0x8;
	s31 =	simm.s32 $0x16F80;
	s9 =	simm.s32 $0x5  }
0x7: {  	s13 =	simm.s32 $0x9300;
	s17 =	simm.s32 $0x9;
	s12 =	simm.s32 $0x6  }
0x8: {  	s11 =	simm.s32 $0xA;
	s10 =	simm.s32 $0xB;
	s0 =	sand.u32 $0x1, s0  }
0x9: {  	s7 =	sshll.u32 s1, $0x7;
	[smem:$0x7FF] =	sst s16;
	s20 =	sadd.s32 $0x1AC00, s6  }
0xa: {  	p0 =	sne.s32 s1, $0x0;
	s2 =	sshll.u32 s0, $0x4;
	s7 =	sand.u32 $0x380, s7  }
0xb: {  	s0 =	ssub.s32 $0x2, s0;
	s3 =	sor.u32 s1, s2;
	s2 =	sadd.s32 s2, s6  }
0xc: {  	s24 =	sshrl.u32 s0, $0x1;
	s3 =	sshrl.u32 s3, $0x3;
	s25 =	sadd.s32 $0x39A00, s2  }
0xd: {  	s0 =	ssub.s32 s0, s24;
	s5 =	smul.u32 $0x31000, s3;
	s3 =	rddreg [dreg:$0x2]  }
0xe: {  	s2 =	sadd.s32 $0x3CC00, s2;
	_ =	strace $0x8000004D;
	[dreg:$0x6] =	wrdreg s25  }
0xf: {  	s24 =	simm.s32 $0x3;
	[dreg:$0x7] =	wrdreg s2;
	s26 =	smax.u32 s0, $0x1  }
0x10: {  	s2 =	sshrl.u32 @!p0 s4, $0x3;
	s15 =	sadd.s32 $0xFFFFFFFF, s26;
	s5 =	sor.u32 s7, s5  }
0x11: {  	s0 =	simm.s32 $0x2;
	p2 =	sne.s32 s15, $0x0;
	s5 =	sshrl.u32 s5, $0x3  }
.Ltmp0:
0x12: {  	s25 =	simm.s32 $0x13E80;
	s23 =	sadd.s32 s5, s6;
	(pc) =	sbr.rel @!p2 .LBB2_1-.Ltmp0, $4  }
0x13: {  	s1 =	sshrl.u32 @!p0 s3, $0x3;
	s26 =	simm.s32 $0x4;
	s8 =	sadd.s32 $0x1F800, s23  }
0x14: {  	s5 =	sadd.s32 $0x1C600, s6;
	s7 =	sadd.s32 $0x2400, s23;
	[dreg:$0x4] =	wrdreg s8  }
0x15: {  	s23 =	simm.s32 $0x4980;
	[dreg:$0x5] =	wrdreg s7;
	s8 =	sadd.s32 $0x38000, s6  }
0x16: {  	s6 =	simm.s32 $0x1880;
	s7 =	simm.s32 $0xC;
	s30 =	rddreg [dreg:$0x4]  }
0x17: {  	s23 =	rddreg [dreg:$0x5]  }
0x18: {  	[dreg:$0x8] =	wrdreg s15;
	s15 =	simm.s32 $0x400  }
0x19: {  	[tilespmem:s16], [sflag:$0x1] =	stream.strided.gather [hbm4b:s30+s18], $0x6200, s15, s18, $0x38;
	[tilespmem:$0x1A070] =	vst v63  }
0x1a: {  	s22 =	simm.s32 @!p0 $0x1C0D;
	s30 =	simm.s32 $0x80;
	s18 =	simm.s32 @!p0 $0xD  }
0x1b: {  	[tilespmem:s28], [sflag:$0x2] =	stream.strided.gather [hbm4b:s23+s30], $0x6200, s15, s30, $0x38;
	[tilespmem:$0x1A070] =	vst v63  }
0x1c: {  	[spmem:s2], [sflag:s22] =	dma.local @!p0 [hbm:s20], $0x1870  }
0x1d: {  	_ =	swait.ge @!p0 [sflag:s18], $0x1870  }
0x1e: {  	[sflag:s18] =	ssyncset.done @!p0 $0x0  }
0x1f: {  	[sflag:s18] =	ssyncadd.s32 @!p0 $0xFFFFE790  }
0x20: {  	[spmem:s1], [sflag:s22] =	dma.local @!p0 [hbm:s20], $0x1870  }
0x21: {  	_ =	swait.ge @!p0 [sflag:s18], $0x1870  }
0x22: {  	[sflag:s18] =	ssyncset.done @!p0 $0x0  }
0x23: {  	s23 =	simm.s32 $0x1;
	[sflag:s18] =	ssyncadd.s32 @!p0 $0xFFFFE790  }
0x24: {  	_ =	swait.ge [sflag:s23], $0x6200  }
0x25: {  	[sflag:s23] =	ssyncset.done $0x0  }
0x26: {  	[sflag:s23] =	ssyncadd.s32 $0xFFFF9E00;
	s23 =	simm.s32 $0xC400  }
0x27: {  	[tilespmem:s23], [sflag:$0x3] =	stream.indirect.gather [hbm4b:s5+s6], $0x1, s16, s6, $0xb8;
	[tilespmem:$0x1A070] =	vst v63  }
0x28: {  	_ = 	snop  }
0x29: {  	[tilespmem:s14], [sflag:$0x7] =	stream.indirect.gather [hbm4b:s8+s6], $0x1, s16, s6, $0xb8;
	[tilespmem:$0x1A070] =	vst v63  }
0x2a: {  	_ =	swait.ge [sflag:s0], $0x6200  }
0x2b: {  	[sflag:s0] =	ssyncset.done $0x0  }
0x2c: {  	[sflag:s0] =	ssyncadd.s32 $0xFFFF9E00  }
0x2d: {  	[bflag:$0x0] =	sbarrier.arrive $0xFFFF  }
0x2e: {  	[tilespmem:s29], [sflag:$0x4] =	stream.indirect.gather [hbm4b:s5+s6], $0x1, s6, s6, $0xb8;
	[tilespmem:$0x1A070] =	vst v63  }
0x2f: {  	_ = 	snop  }
0x30: {  	[tilespmem:s25], [sflag:$0x8] =	stream.indirect.gather [hbm4b:s8+s6], $0x1, s6, s6, $0xb8;
	[tilespmem:$0x1A070] =	vst v63  }
0x31: {  	_ =	swait.ge [sflag:s24], $0x1880  }
0x32: {  	[sflag:s24] =	ssyncset.done $0x0  }
0x33: {  	[sflag:s24] =	ssyncadd.s32 $0xFFFFE780  }
0x34: {  	[spmem:s4] =	stream.indirect.scatter.add.f32 [tilespmem:s23], [sflag:$0xB], $0x1, s28, s6, $0xb8;
	[tilespmem:$0x1A070] =	vst v63  }
0x35: {  	_ =	swait.ge [sflag:s21], $0x1880  }
0x36: {  	[sflag:s21] =	ssyncset.done $0x0  }
0x37: {  	[sflag:s21] =	ssyncadd.s32 $0xFFFFE780  }
0x38: {  	[spmem:s3] =	stream.indirect.scatter.add.f32 [tilespmem:s14], [sflag:$0xC], $0x1, s28, s6, $0xb8;
	[tilespmem:$0x1A070] =	vst v63  }
0x39: {  	s16 =	simm.s32 $0xF500;
	s23 =	simm.s32 $0x3100  }
0x3a: {  	[tilespmem:s16], [sflag:$0x5] =	stream.indirect.gather [hbm4b:s5+s6], $0x1, s23, s6, $0xb8;
	[tilespmem:$0x1A070] =	vst v63  }
0x3b: {  	s15 =	simm.s32 $0x15700  }
0x3c: {  	[tilespmem:s15], [sflag:$0x9] =	stream.indirect.gather [hbm4b:s8+s6], $0x1, s23, s6, $0xb8;
	[tilespmem:$0x1A070] =	vst v63  }
0x3d: {  	_ =	swait.ge [sflag:s26], $0x1880  }
0x3e: {  	[sflag:s26] =	ssyncset.done $0x0  }
0x3f: {  	s23 =	simm.s32 $0x7A80;
	[sflag:s26] =	ssyncadd.s32 $0xFFFFE780  }
0x40: {  	[spmem:s4] =	stream.indirect.scatter.add.f32 [tilespmem:s29], [sflag:$0xB], $0x1, s23, s6, $0xb8;
	[tilespmem:$0x1A070] =	vst v63  }
0x41: {  	_ =	swait.ge [sflag:s19], $0x1880  }
0x42: {  	[sflag:s19] =	ssyncset.done $0x0  }
0x43: {  	[sflag:s19] =	ssyncadd.s32 $0xFFFFE780  }
0x44: {  	[spmem:s3] =	stream.indirect.scatter.add.f32 [tilespmem:s25], [sflag:$0xC], $0x1, s23, s6, $0xb8;
	[tilespmem:$0x1A070] =	vst v63  }
0x45: {  	s14 =	simm.s32 $0x10D80;
	s25 =	simm.s32 $0x4980  }
0x46: {  	[tilespmem:s14], [sflag:$0x6] =	stream.indirect.gather [hbm4b:s5+s6], $0x1, s25, s6, $0xb8;
	[tilespmem:$0x1A070] =	vst v63  }
0x47: {  	_ = 	snop  }
0x48: {  	[tilespmem:s31], [sflag:$0xA] =	stream.indirect.gather [hbm4b:s8+s6], $0x1, s25, s6, $0xb8;
	[tilespmem:$0x1A070] =	vst v63  }
0x49: {  	_ =	swait.ge [sflag:s9], $0x1880  }
0x4a: {  	[sflag:s9] =	ssyncset.done $0x0  }
0x4b: {  	[sflag:s9] =	ssyncadd.s32 $0xFFFFE780  }
0x4c: {  	[spmem:s4] =	stream.indirect.scatter.add.f32 [tilespmem:s16], [sflag:$0xB], $0x1, s13, s6, $0xb8;
	[tilespmem:$0x1A070] =	vst v63  }
0x4d: {  	_ =	swait.ge [sflag:s17], $0x1880  }
0x4e: {  	[sflag:s17] =	ssyncset.done $0x0  }
0x4f: {  	[sflag:s17] =	ssyncadd.s32 $0xFFFFE780  }
0x50: {  	[spmem:s3] =	stream.indirect.scatter.add.f32 [tilespmem:s15], [sflag:$0xC], $0x1, s13, s6, $0xb8;
	[tilespmem:$0x1A070] =	vst v63  }
0x51: {  	_ =	swait.ge [sflag:s12], $0x1880  }
0x52: {  	[sflag:s12] =	ssyncset.done $0x0  }
0x53: {  	s25 =	simm.s32 $0xAB80;
	[sflag:s12] =	ssyncadd.s32 $0xFFFFE780  }
0x54: {  	[spmem:s4] =	stream.indirect.scatter.add.f32 [tilespmem:s14], [sflag:$0xB], $0x1, s25, s6, $0xb8;
	[tilespmem:$0x1A070] =	vst v63  }
0x55: {  	_ =	swait.ge [sflag:s11], $0x1880  }
0x56: {  	[sflag:s11] =	ssyncset.done $0x0  }
0x57: {  	[sflag:s11] =	ssyncadd.s32 $0xFFFFE780  }
0x58: {  	[spmem:s3] =	stream.indirect.scatter.add.f32 [tilespmem:s31], [sflag:$0xC], $0x1, s25, s6, $0xb8;
	[tilespmem:$0x1A070] =	vst v63  }
0x59: {  	_ =	swait.ge [sflag:s10], $0x1880  }
0x5a: {  	[sflag:s10] =	ssyncset.done $0x0  }
0x5b: {  	[sflag:s10] =	ssyncadd.s32 $0xFFFFE780  }
0x5c: {  	_ =	swait.ge [sflag:s10], $0x1880  }
0x5d: {  	[sflag:s10] =	ssyncset.done $0x0  }
0x5e: {  	[sflag:s10] =	ssyncadd.s32 $0xFFFFE780  }
0x5f: {  	_ =	swait.ge [sflag:s10], $0x1880  }
0x60: {  	[sflag:s10] =	ssyncset.done $0x0  }
0x61: {  	[sflag:s10] =	ssyncadd.s32 $0xFFFFE780  }
0x62: {  	_ =	swait.ge [sflag:s10], $0x1880  }
0x63: {  	[sflag:s10] =	ssyncset.done $0x0  }
0x64: {  	[sflag:s10] =	ssyncadd.s32 $0xFFFFE780  }
0x65: {  	_ =	swait.ge [sflag:s7], $0x1880  }
0x66: {  	[sflag:s7] =	ssyncset.done $0x0  }
0x67: {  	[sflag:s7] =	ssyncadd.s32 $0xFFFFE780  }
0x68: {  	_ =	swait.ge [sflag:s7], $0x1880  }
0x69: {  	[sflag:s7] =	ssyncset.done $0x0  }
0x6a: {  	[sflag:s7] =	ssyncadd.s32 $0xFFFFE780  }
0x6b: {  	_ =	swait.ge [sflag:s7], $0x1880  }
0x6c: {  	[sflag:s7] =	ssyncset.done $0x0  }
0x6d: {  	[sflag:s7] =	ssyncadd.s32 $0xFFFFE780  }
0x6e: {  	_ =	swait.ge [sflag:s7], $0x1880  }
0x6f: {  	[sflag:s7] =	ssyncset.done $0x0  }
0x70: {  	[sflag:s7] =	ssyncadd.s32 $0xFFFFE780  }
0x71: {  	s13 =	simm.s32 @!p0 $0x1;
	[bflag:$0x0] =	sbarrier.arrive $0xFFFF  }
0x72: {  	s15 =	simm.s32 @!p0 $0x10;
	s14 =	simm.s32 @!p0 $0x20;
	s30 =	rddreg [dreg:$0x6]  }
0x73: {  	[hbm:s30@s14], [sflag:s22] =	dma.strided @!p0 [spmem:s2@s15], $0x1870, s13, $0x10   }
0x74: {  	_ =	swait.ge @!p0 [sflag:s18], $0x1870  }
0x75: {  	s31 =	rddreg [dreg:$0x8]  }
0x76: {  	p1 =	por $0x1, $0x1;
	s28 =	sadd.s32 $0xFFFFFFFF, s31  }
0x77: {  	s29 =	simm.s32 $0x6200;
	s23 =	simm.s32 $0x9;
	p2 =	sne.s32 s28, $0x0  }
.Ltmp1:
0x78: {  	s16 =	simm.s32 $0x0;
	[sflag:s18] =	ssyncset.done @!p0 $0x0;
	(pc) =	sbr.rel @!p2 .LBB2_3-.Ltmp1, $4  }
0x79: {  	s17 =	simm.s32 $0xC400;
	s30 =	rddreg [dreg:$0x7];
	[sflag:s18] =	ssyncadd.s32 @!p0 $0xFFFFE790  }
0x7a: {  	[hbm:s30@s14], [sflag:s22] =	dma.strided @!p0 [spmem:s1@s15], $0x1870, s13, $0x10   }
0x7b: {  	s12 =	simm.s32 $0x6;
	s11 =	simm.s32 $0xA;
	_ =	swait.ge @!p0 [sflag:s18], $0x1870  }
0x7c: {  	s25 =	simm.s32 $0x7A80;
	s30 =	rddreg [dreg:$0x4];
	[sflag:s18] =	ssyncset.done @!p0 $0x0  }
.LBB2_4:
0x7d: {  	[sflag:s18] =	ssyncadd.s32 @!p0 $0xFFFFE790;
	s13 =	simm.s32 $0x400;
	s14 =	simm.s32 $0x80  }
0x7e: {  	[tilespmem:s16], [sflag:$0x1] =	stream.strided.gather [hbm4b:s30+s14], $0x6200, s13, s14, $0x38;
	[tilespmem:$0x1A070] =	vst v63  }
0x7f: {  	s15 =	rddreg [dreg:$0x5]  }
0x80: {  	[tilespmem:s29], [sflag:$0x2] =	stream.strided.gather [hbm4b:s15+s14], $0x6200, s13, s14, $0x38;
	[tilespmem:$0x1A070] =	vst v63  }
0x81: {  	[spmem:s2], [sflag:s22] =	dma.local @!p0 [hbm:s20], $0x1870  }
0x82: {  	_ =	swait.ge @!p0 [sflag:s18], $0x1870  }
0x83: {  	[sflag:s18] =	ssyncset.done @!p0 $0x0  }
0x84: {  	[sflag:s18] =	ssyncadd.s32 @!p0 $0xFFFFE790  }
0x85: {  	[spmem:s1], [sflag:s22] =	dma.local @!p0 [hbm:s20], $0x1870  }
0x86: {  	_ =	swait.ge @!p0 [sflag:s18], $0x1870  }
0x87: {  	[sflag:s18] =	ssyncset.done @!p0 $0x0  }
0x88: {  	s31 =	simm.s32 $0x1;
	[sflag:s18] =	ssyncadd.s32 @!p0 $0xFFFFE790  }
0x89: {  	_ =	swait.ge [sflag:s31], $0x6200  }
0x8a: {  	[sflag:s31] =	ssyncset.done $0x0  }
0x8b: {  	[sflag:s31] =	ssyncadd.s32 $0xFFFF9E00  }
0x8c: {  	[tilespmem:s17], [sflag:$0x3] =	stream.indirect.gather [hbm4b:s5+s6], $0x1, s16, s6, $0xb8;
	[tilespmem:$0x1A070] =	vst v63  }
0x8d: {  	s14 =	simm.s32 $0x12600  }
0x8e: {  	[tilespmem:s14], [sflag:$0x7] =	stream.indirect.gather [hbm4b:s8+s6], $0x1, s16, s6, $0xb8;
	[tilespmem:$0x1A070] =	vst v63  }
0x8f: {  	_ =	swait.ge [sflag:s0], $0x6200  }
0x90: {  	[sflag:s0] =	ssyncset.done $0x0  }
0x91: {  	[sflag:s0] =	ssyncadd.s32 $0xFFFF9E00  }
0x92: {  	s31 =	simm.s32 $0xDC80;
	[bflag:$0x0] =	sbarrier.arrive $0xFFFF  }
0x93: {  	[tilespmem:s31], [sflag:$0x4] =	stream.indirect.gather [hbm4b:s5+s6], $0x1, s6, s6, $0xb8;
	[tilespmem:$0x1A070] =	vst v63  }
0x94: {  	s15 =	simm.s32 $0x13E80  }
0x95: {  	[tilespmem:s15], [sflag:$0x8] =	stream.indirect.gather [hbm4b:s8+s6], $0x1, s6, s6, $0xb8;
	[tilespmem:$0x1A070] =	vst v63  }
0x96: {  	_ =	swait.ge [sflag:s24], $0x1880  }
0x97: {  	[sflag:s24] =	ssyncset.done $0x0  }
0x98: {  	[sflag:s24] =	ssyncadd.s32 $0xFFFFE780  }
0x99: {  	[spmem:s4] =	stream.indirect.scatter.add.f32 [tilespmem:s17], [sflag:$0xB], $0x1, s29, s6, $0xb8;
	[tilespmem:$0x1A070] =	vst v63  }
0x9a: {  	_ =	swait.ge [sflag:s21], $0x1880  }
0x9b: {  	[sflag:s21] =	ssyncset.done $0x0  }
0x9c: {  	[sflag:s21] =	ssyncadd.s32 $0xFFFFE780  }
0x9d: {  	[spmem:s3] =	stream.indirect.scatter.add.f32 [tilespmem:s14], [sflag:$0xC], $0x1, s29, s6, $0xb8;
	[tilespmem:$0x1A070] =	vst v63  }
0x9e: {  	s30 =	simm.s32 $0xF500;
	s13 =	simm.s32 $0x3100  }
0x9f: {  	[tilespmem:s30], [sflag:$0x5] =	stream.indirect.gather [hbm4b:s5+s6], $0x1, s13, s6, $0xb8;
	[tilespmem:$0x1A070] =	vst v63  }
0xa0: {  	s14 =	simm.s32 $0x15700  }
0xa1: {  	[tilespmem:s14], [sflag:$0x9] =	stream.indirect.gather [hbm4b:s8+s6], $0x1, s13, s6, $0xb8;
	[tilespmem:$0x1A070] =	vst v63  }
0xa2: {  	_ =	swait.ge [sflag:s26], $0x1880  }
0xa3: {  	[sflag:s26] =	ssyncset.done $0x0  }
0xa4: {  	[sflag:s26] =	ssyncadd.s32 $0xFFFFE780  }
0xa5: {  	[spmem:s4] =	stream.indirect.scatter.add.f32 [tilespmem:s31], [sflag:$0xB], $0x1, s25, s6, $0xb8;
	[tilespmem:$0x1A070] =	vst v63  }
0xa6: {  	_ =	swait.ge [sflag:s19], $0x1880  }
0xa7: {  	[sflag:s19] =	ssyncset.done $0x0  }
0xa8: {  	[sflag:s19] =	ssyncadd.s32 $0xFFFFE780  }
0xa9: {  	[spmem:s3] =	stream.indirect.scatter.add.f32 [tilespmem:s15], [sflag:$0xC], $0x1, s25, s6, $0xb8;
	[tilespmem:$0x1A070] =	vst v63  }
0xaa: {  	s13 =	simm.s32 $0x4980;
	s31 =	simm.s32 $0x10D80  }
0xab: {  	[tilespmem:s31], [sflag:$0x6] =	stream.indirect.gather [hbm4b:s5+s6], $0x1, s13, s6, $0xb8;
	[tilespmem:$0x1A070] =	vst v63  }
0xac: {  	s15 =	simm.s32 $0x16F80  }
0xad: {  	[tilespmem:s15], [sflag:$0xA] =	stream.indirect.gather [hbm4b:s8+s6], $0x1, s13, s6, $0xb8;
	[tilespmem:$0x1A070] =	vst v63  }
0xae: {  	_ =	swait.ge [sflag:s9], $0x1880  }
0xaf: {  	[sflag:s9] =	ssyncset.done $0x0  }
0xb0: {  	s13 =	simm.s32 $0x9300;
	[sflag:s9] =	ssyncadd.s32 $0xFFFFE780  }
0xb1: {  	[spmem:s4] =	stream.indirect.scatter.add.f32 [tilespmem:s30], [sflag:$0xB], $0x1, s13, s6, $0xb8;
	[tilespmem:$0x1A070] =	vst v63  }
0xb2: {  	_ =	swait.ge [sflag:s23], $0x1880  }
0xb3: {  	[sflag:s23] =	ssyncset.done $0x0  }
0xb4: {  	[sflag:s23] =	ssyncadd.s32 $0xFFFFE780  }
0xb5: {  	[spmem:s3] =	stream.indirect.scatter.add.f32 [tilespmem:s14], [sflag:$0xC], $0x1, s13, s6, $0xb8;
	[tilespmem:$0x1A070] =	vst v63  }
0xb6: {  	_ =	swait.ge [sflag:s12], $0x1880  }
0xb7: {  	[sflag:s12] =	ssyncset.done $0x0  }
0xb8: {  	s14 =	simm.s32 $0xAB80;
	[sflag:s12] =	ssyncadd.s32 $0xFFFFE780  }
0xb9: {  	[spmem:s4] =	stream.indirect.scatter.add.f32 [tilespmem:s31], [sflag:$0xB], $0x1, s14, s6, $0xb8;
	[tilespmem:$0x1A070] =	vst v63  }
0xba: {  	_ =	swait.ge [sflag:s11], $0x1880  }
0xbb: {  	[sflag:s11] =	ssyncset.done $0x0  }
0xbc: {  	[sflag:s11] =	ssyncadd.s32 $0xFFFFE780  }
0xbd: {  	[spmem:s3] =	stream.indirect.scatter.add.f32 [tilespmem:s15], [sflag:$0xC], $0x1, s14, s6, $0xb8;
	[tilespmem:$0x1A070] =	vst v63  }
0xbe: {  	_ =	swait.ge [sflag:s10], $0x1880  }
0xbf: {  	[sflag:s10] =	ssyncset.done $0x0  }
0xc0: {  	[sflag:s10] =	ssyncadd.s32 $0xFFFFE780  }
0xc1: {  	_ =	swait.ge [sflag:s10], $0x1880  }
0xc2: {  	[sflag:s10] =	ssyncset.done $0x0  }
0xc3: {  	[sflag:s10] =	ssyncadd.s32 $0xFFFFE780  }
0xc4: {  	_ =	swait.ge [sflag:s10], $0x1880  }
0xc5: {  	[sflag:s10] =	ssyncset.done $0x0  }
0xc6: {  	[sflag:s10] =	ssyncadd.s32 $0xFFFFE780  }
0xc7: {  	_ =	swait.ge [sflag:s10], $0x1880  }
0xc8: {  	[sflag:s10] =	ssyncset.done $0x0  }
0xc9: {  	[sflag:s10] =	ssyncadd.s32 $0xFFFFE780  }
0xca: {  	_ =	swait.ge [sflag:s7], $0x1880  }
0xcb: {  	[sflag:s7] =	ssyncset.done $0x0  }
0xcc: {  	[sflag:s7] =	ssyncadd.s32 $0xFFFFE780  }
0xcd: {  	_ =	swait.ge [sflag:s7], $0x1880  }
0xce: {  	[sflag:s7] =	ssyncset.done $0x0  }
0xcf: {  	[sflag:s7] =	ssyncadd.s32 $0xFFFFE780  }
0xd0: {  	_ =	swait.ge [sflag:s7], $0x1880  }
0xd1: {  	[sflag:s7] =	ssyncset.done $0x0  }
0xd2: {  	[sflag:s7] =	ssyncadd.s32 $0xFFFFE780  }
0xd3: {  	_ =	swait.ge [sflag:s7], $0x1880  }
0xd4: {  	[sflag:s7] =	ssyncset.done $0x0  }
0xd5: {  	[sflag:s7] =	ssyncadd.s32 $0xFFFFE780  }
0xd6: {  	s28 =	sadd.s32 $0xFFFFFFFF, s28;
	s30 =	simm.s32 @!p0 $0x10;
	[bflag:$0x0] =	sbarrier.arrive $0xFFFF  }
0xd7: {  	s13 =	simm.s32 @!p0 $0x1;
	s14 =	simm.s32 @!p0 $0x20;
	s15 =	rddreg [dreg:$0x6]  }
0xd8: {  	[hbm:s15@s14], [sflag:s22] =	dma.strided @!p0 [spmem:s2@s30], $0x1870, s13, $0x10   }
0xd9: {  	p2 =	sne.s32 s28, $0x0;
	_ =	swait.ge @!p0 [sflag:s18], $0x1870  }
.Ltmp2:
0xda: {  	[sflag:s18] =	ssyncset.done @!p0 $0x0;
	(pc) =	sbr.rel @p2 .LBB2_4-.Ltmp2, $4  }
0xdb: {  	s15 =	rddreg [dreg:$0x7];
	[sflag:s18] =	ssyncadd.s32 @!p0 $0xFFFFE790  }
0xdc: {  	[hbm:s15@s14], [sflag:s22] =	dma.strided @!p0 [spmem:s1@s30], $0x1870, s13, $0x10   }
0xdd: {  	_ =	swait.ge @!p0 [sflag:s18], $0x1870  }
0xde: {  	s30 =	rddreg [dreg:$0x4];
	[sflag:s18] =	ssyncset.done @!p0 $0x0  }
0xdf: {  	s22 =	rddreg [dreg:$0x3]  }
0xe0: {  	s19 =	simm.s32 $0x15700;
	s31 =	simm.s32 $0x16F80;
	s16 =	simm.s32 $0x0  }
0xe1: {  	s26 =	simm.s32 $0xF500;
	s21 =	simm.s32 $0x10D80;
	s25 =	simm.s32 $0x13E80  }
0xe2: {  	s28 =	simm.s32 $0x6200;
	s24 =	simm.s32 $0xAB80;
	s29 =	simm.s32 $0xDC80  }
0xe3: {  	s11 =	simm.s32 $0xA;
	s12 =	simm.s32 $0x6;
	s13 =	simm.s32 $0x9300  }
0xe4: {  	s14 =	simm.s32 $0x12600;
	s17 =	simm.s32 $0x9;
	s23 =	simm.s32 $0x4980  }
.LBB2_6:
0xe5: {  	p1 =	por p0, !p1  }
0xe6: {  	s0 =	simm.s32 $0x80;
	s9 =	simm.s32 $0x400;
	[sflag:s18] =	ssyncadd.s32 @!p1 $0xFFFFE790  }
0xe7: {  	[tilespmem:s16], [sflag:$0x1] =	stream.strided.gather [hbm4b:s30+s0], $0x6200, s9, s0, $0x38;
	[tilespmem:$0x1A070] =	vst v63  }
0xe8: {  	s15 =	rddreg [dreg:$0x5]  }
0xe9: {  	[tilespmem:s28], [sflag:$0x2] =	stream.strided.gather [hbm4b:s15+s0], $0x6200, s9, s0, $0x38;
	[tilespmem:$0x1A070] =	vst v63  }
0xea: {  	s9 =	simm.s32 @!p0 $0x1C0D;
	s15 =	simm.s32 @!p0 $0xD  }
0xeb: {  	[spmem:s2], [sflag:s9] =	dma.local @!p0 [hbm:s20], $0x1870  }
0xec: {  	_ =	swait.ge @!p0 [sflag:s15], $0x1870  }
0xed: {  	[sflag:s15] =	ssyncset.done @!p0 $0x0  }
0xee: {  	[sflag:s15] =	ssyncadd.s32 @!p0 $0xFFFFE790  }
0xef: {  	[spmem:s1], [sflag:s9] =	dma.local @!p0 [hbm:s20], $0x1870  }
0xf0: {  	_ =	swait.ge @!p0 [sflag:s15], $0x1870  }
0xf1: {  	[sflag:s15] =	ssyncset.done @!p0 $0x0  }
0xf2: {  	s18 =	simm.s32 $0x1;
	[sflag:s15] =	ssyncadd.s32 @!p0 $0xFFFFE790  }
0xf3: {  	_ =	swait.ge [sflag:s18], $0x6200  }
0xf4: {  	[sflag:s18] =	ssyncset.done $0x0  }
0xf5: {  	[sflag:s18] =	ssyncadd.s32 $0xFFFF9E00;
	s18 =	simm.s32 $0xC400  }
0xf6: {  	[tilespmem:s18], [sflag:$0x3] =	stream.indirect.gather [hbm4b:s5+s6], $0x1, s16, s6, $0xb8;
	[tilespmem:$0x1A070] =	vst v63  }
0xf7: {  	s20 =	simm.s32 $0x2  }
0xf8: {  	[tilespmem:s14], [sflag:$0x7] =	stream.indirect.gather [hbm4b:s8+s6], $0x1, s16, s6, $0xb8;
	[tilespmem:$0x1A070] =	vst v63  }
0xf9: {  	_ =	swait.ge [sflag:s20], $0x6200  }
0xfa: {  	[sflag:s20] =	ssyncset.done $0x0  }
0xfb: {  	[sflag:s20] =	ssyncadd.s32 $0xFFFF9E00  }
0xfc: {  	[bflag:$0x0] =	sbarrier.arrive $0xFFFF  }
0xfd: {  	[tilespmem:s29], [sflag:$0x4] =	stream.indirect.gather [hbm4b:s5+s6], $0x1, s6, s6, $0xb8;
	[tilespmem:$0x1A070] =	vst v63  }
0xfe: {  	s30 =	simm.s32 $0x3  }
0xff: {  	[tilespmem:s25], [sflag:$0x8] =	stream.indirect.gather [hbm4b:s8+s6], $0x1, s6, s6, $0xb8;
	[tilespmem:$0x1A070] =	vst v63  }
0x100: {  	_ =	swait.ge [sflag:s30], $0x1880  }
0x101: {  	[sflag:s30] =	ssyncset.done $0x0  }
0x102: {  	s0 =	simm.s32 $0x7;
	[sflag:s30] =	ssyncadd.s32 $0xFFFFE780  }
0x103: {  	[spmem:s4] =	stream.indirect.scatter.add.f32 [tilespmem:s18], [sflag:$0xB], $0x1, s28, s6, $0xb8;
	[tilespmem:$0x1A070] =	vst v63  }
0x104: {  	_ =	swait.ge [sflag:s0], $0x1880  }
0x105: {  	[sflag:s0] =	ssyncset.done $0x0  }
0x106: {  	[sflag:s0] =	ssyncadd.s32 $0xFFFFE780  }
0x107: {  	[spmem:s3] =	stream.indirect.scatter.add.f32 [tilespmem:s14], [sflag:$0xC], $0x1, s28, s6, $0xb8;
	[tilespmem:$0x1A070] =	vst v63  }
0x108: {  	s18 =	simm.s32 $0x3100  }
0x109: {  	[tilespmem:s26], [sflag:$0x5] =	stream.indirect.gather [hbm4b:s5+s6], $0x1, s18, s6, $0xb8;
	[tilespmem:$0x1A070] =	vst v63  }
0x10a: {  	s20 =	simm.s32 $0x4  }
0x10b: {  	[tilespmem:s19], [sflag:$0x9] =	stream.indirect.gather [hbm4b:s8+s6], $0x1, s18, s6, $0xb8;
	[tilespmem:$0x1A070] =	vst v63  }
0x10c: {  	_ =	swait.ge [sflag:s20], $0x1880  }
0x10d: {  	[sflag:s20] =	ssyncset.done $0x0  }
0x10e: {  	s28 =	simm.s32 $0x7A80;
	[sflag:s20] =	ssyncadd.s32 $0xFFFFE780  }
0x10f: {  	[spmem:s4] =	stream.indirect.scatter.add.f32 [tilespmem:s29], [sflag:$0xB], $0x1, s28, s6, $0xb8;
	[tilespmem:$0x1A070] =	vst v63  }
0x110: {  	s29 =	simm.s32 $0x8  }
0x111: {  	_ =	swait.ge [sflag:s29], $0x1880  }
0x112: {  	[sflag:s29] =	ssyncset.done $0x0  }
0x113: {  	[sflag:s29] =	ssyncadd.s32 $0xFFFFE780  }
0x114: {  	[spmem:s3] =	stream.indirect.scatter.add.f32 [tilespmem:s25], [sflag:$0xC], $0x1, s28, s6, $0xb8;
	[tilespmem:$0x1A070] =	vst v63  }
0x115: {  	_ = 	snop  }
0x116: {  	[tilespmem:s21], [sflag:$0x6] =	stream.indirect.gather [hbm4b:s5+s6], $0x1, s23, s6, $0xb8;
	[tilespmem:$0x1A070] =	vst v63  }
0x117: {  	s30 =	simm.s32 $0x5  }
0x118: {  	[tilespmem:s31], [sflag:$0xA] =	stream.indirect.gather [hbm4b:s8+s6], $0x1, s23, s6, $0xb8;
	[tilespmem:$0x1A070] =	vst v63  }
0x119: {  	_ =	swait.ge [sflag:s30], $0x1880  }
0x11a: {  	[sflag:s30] =	ssyncset.done $0x0  }
0x11b: {  	[sflag:s30] =	ssyncadd.s32 $0xFFFFE780  }
0x11c: {  	[spmem:s4] =	stream.indirect.scatter.add.f32 [tilespmem:s26], [sflag:$0xB], $0x1, s13, s6, $0xb8;
	[tilespmem:$0x1A070] =	vst v63  }
0x11d: {  	_ =	swait.ge [sflag:s17], $0x1880  }
0x11e: {  	[sflag:s17] =	ssyncset.done $0x0  }
0x11f: {  	[sflag:s17] =	ssyncadd.s32 $0xFFFFE780  }
0x120: {  	[spmem:s3] =	stream.indirect.scatter.add.f32 [tilespmem:s19], [sflag:$0xC], $0x1, s13, s6, $0xb8;
	[tilespmem:$0x1A070] =	vst v63  }
0x121: {  	_ =	swait.ge [sflag:s12], $0x1880  }
0x122: {  	[sflag:s12] =	ssyncset.done $0x0  }
0x123: {  	[sflag:s12] =	ssyncadd.s32 $0xFFFFE780  }
0x124: {  	[spmem:s4] =	stream.indirect.scatter.add.f32 [tilespmem:s21], [sflag:$0xB], $0x1, s24, s6, $0xb8;
	[tilespmem:$0x1A070] =	vst v63  }
0x125: {  	_ =	swait.ge [sflag:s11], $0x1880  }
0x126: {  	[sflag:s11] =	ssyncset.done $0x0  }
0x127: {  	[sflag:s11] =	ssyncadd.s32 $0xFFFFE780  }
0x128: {  	[spmem:s3] =	stream.indirect.scatter.add.f32 [tilespmem:s31], [sflag:$0xC], $0x1, s24, s6, $0xb8;
	[tilespmem:$0x1A070] =	vst v63  }
0x129: {  	_ =	swait.ge [sflag:s10], $0x1880  }
0x12a: {  	[sflag:s10] =	ssyncset.done $0x0  }
0x12b: {  	[sflag:s10] =	ssyncadd.s32 $0xFFFFE780  }
0x12c: {  	_ =	swait.ge [sflag:s10], $0x1880  }
0x12d: {  	[sflag:s10] =	ssyncset.done $0x0  }
0x12e: {  	[sflag:s10] =	ssyncadd.s32 $0xFFFFE780  }
0x12f: {  	_ =	swait.ge [sflag:s10], $0x1880  }
0x130: {  	[sflag:s10] =	ssyncset.done $0x0  }
0x131: {  	[sflag:s10] =	ssyncadd.s32 $0xFFFFE780  }
0x132: {  	_ =	swait.ge [sflag:s10], $0x1880  }
0x133: {  	[sflag:s10] =	ssyncset.done $0x0  }
0x134: {  	[sflag:s10] =	ssyncadd.s32 $0xFFFFE780  }
0x135: {  	_ =	swait.ge [sflag:s7], $0x1880  }
0x136: {  	[sflag:s7] =	ssyncset.done $0x0  }
0x137: {  	[sflag:s7] =	ssyncadd.s32 $0xFFFFE780  }
0x138: {  	_ =	swait.ge [sflag:s7], $0x1880  }
0x139: {  	[sflag:s7] =	ssyncset.done $0x0  }
0x13a: {  	[sflag:s7] =	ssyncadd.s32 $0xFFFFE780  }
0x13b: {  	_ =	swait.ge [sflag:s7], $0x1880  }
0x13c: {  	[sflag:s7] =	ssyncset.done $0x0  }
0x13d: {  	[sflag:s7] =	ssyncadd.s32 $0xFFFFE780  }
0x13e: {  	_ =	swait.ge [sflag:s7], $0x1880  }
0x13f: {  	[sflag:s7] =	ssyncset.done $0x0  }
0x140: {  	[sflag:s7] =	ssyncadd.s32 $0xFFFFE780  }
0x141: {  	s5 =	simm.s32 @!p0 $0x10;
	[bflag:$0x0] =	sbarrier.arrive $0xFFFF  }
0x142: {  	s4 =	simm.s32 @!p0 $0x20;
	s3 =	simm.s32 @!p0 $0x1;
	s0 =	rddreg [dreg:$0x6]  }
0x143: {  	[hbm:s0@s4], [sflag:s9] =	dma.strided @!p0 [spmem:s2@s5], $0x1870, s3, $0x10   }
0x144: {  	_ =	swait.ge @!p0 [sflag:s15], $0x1870  }
0x145: {  	[sflag:s15] =	ssyncset.done @!p0 $0x0  }
0x146: {  	s0 =	rddreg [dreg:$0x7];
	[sflag:s15] =	ssyncadd.s32 @!p0 $0xFFFFE790  }
0x147: {  	[hbm:s0@s4], [sflag:s9] =	dma.strided @!p0 [spmem:s1@s5], $0x1870, s3, $0x10   }
0x148: {  	_ =	swait.ge @!p0 [sflag:s15], $0x1870  }
0x149: {  	[sflag:s15] =	ssyncset.done @!p0 $0x0  }
0x14a: {  	[sflag:s15] =	ssyncadd.s32 @!p0 $0xFFFFE790  }
0x14b: {  	_ =	sfence.sel $0x180000  }
0x14c: {  	[bflag:$0x0] =	sbarrier.arrive $0xFFFF  }
0x14d: {  	_ =	strace $0x9000004D  }
0x14e: {  	s0 =	sadd.s32 @!p0 $0x100000, s22;
	[bflag:$0x2] =	sbarrier.arrive $0xFFFF  }
0x14f: {  	[sflag:s0] =	ssyncadd.tile.s32 @!p0 $0x1;
	_ =	shalt  }
.LBB2_1:
.Ltmp3:
0x150: {  	(pc) =	sbr.rel .LBB2_6-.Ltmp3, $3  }
0x151: {  	_ =	sdelay $0x1  }
0x152: {  	s19 =	simm.s32 $0x15700  }
0x153: {  	s21 =	simm.s32 $0x10D80;
	s24 =	simm.s32 $0xAB80;
	s26 =	simm.s32 $0xF500  }
.LBB2_3:
0x154: {  	s22 =	rddreg [dreg:$0x3];
	s19 =	simm.s32 $0x15700  }
.Ltmp4:
0x155: {  	s31 =	simm.s32 $0x16F80;
	s16 =	simm.s32 $0x0;
	(pc) =	sbr.rel .LBB2_6-.Ltmp4, $4  }
0x156: {  	s26 =	simm.s32 $0xF500;
	s21 =	simm.s32 $0x10D80;
	s25 =	simm.s32 $0x13E80  }
0x157: {  	s28 =	simm.s32 $0x6200;
	s24 =	simm.s32 $0xAB80;
	s29 =	simm.s32 $0xDC80  }
0x158: {  	s11 =	simm.s32 $0xA;
	s12 =	simm.s32 $0x6;
	s13 =	simm.s32 $0x9300  }
0x159: {  	s14 =	simm.s32 $0x12600;
	s17 =	simm.s32 $0x9;
	s23 =	simm.s32 $0x4980  }
.Lfunc_end2:
_tile_overlayer_lowered:
.L_overlay_start_2:
0x15a: {  	(tag) =	ssettag $0x2  }
0x15b: {  	s0 =	rddreg [dreg:$0x0];
	s2 =	stileid.u32  }
0x15c: {  	s1 =	rddreg [dreg:$0x1];
	p0 =	sne.s32 s2, $0x0  }
0x15d: {  	s3 =	rddreg [dreg:$0x2];
	[bflag:$0x3] =	sbarrier.arrive $0xFFFF;
	s2 =	simm.s32 @!p0 $0x1C0D  }
0x15e: {  	[timem:s3], [sflag:s2] =	dma.local @!p0 [hbm:s0], s1  }
0x15f: {  	s0 =	simm.s32 @!p0 $0xD  }
0x160: {  	_ =	swait.ge @!p0 [sflag:s0], s1  }
0x161: {  	s1 =	ssub.s32 @!p0 $0x0, s1;
	[sflag:s0] =	ssyncset.done @!p0 $0x0  }
0x162: {  	[sflag:s0] =	ssyncadd.s32 @!p0 s1  }
0x163: {  	[bflag:$0x3] =	sbarrier.arrive $0xFFFF  }
0x164: {  	_ =	shalt  }

// kernel: kernel.8.cloned.1.call-start
scs
__scs_entry_jumppad:
0x0: {  	(pc) =	sbr.rel $0x88, $3  }
0x1: {  	(tag) =	ssettag $0x0;
	lr =	simm.s32 $0x1  }
0x2: {  	[smem:$0x3F99] =	sst lr;
	_ =	strace $0xD0000000  }
0x3: {  	_ = 	snop  }
0x4: {  	_ = 	snop  }
0x5: {  	_ = 	snop  }
0x6: {  	_ = 	snop  }
0x7: {  	_ = 	snop  }
__scs_overlays_trampoline_lowered:
0x8: {  	[smem:$0x3FA8] =	sst s0  }
0x9: {  	[smem:$0x3FA9] =	sst s1  }
0xa: {  	[smem:$0x3FAA] =	sst s2  }
0xb: {  	[smem:$0x3FAB] =	sst s3  }
0xc: {  	[smem:$0x3FAC] =	sst s4  }
0xd: {  	[smem:$0x3FAD] =	sst s5  }
0xe: {  	[smem:$0x3FAE] =	sst s6  }
0xf: {  	[smem:$0x3FAF] =	sst s7  }
0x10: {  	[smem:$0x3FB0] =	sst s8  }
0x11: {  	[smem:$0x3FB1] =	sst s9;
	s0 =	simm.s32 @!p0 $0x0  }
0x12: {  	s1 =	sld [smem:$0x3F97];
	s0 =	simm.s32 @p0 $0x1  }
0x13: {  	[smem:$0x3FB2] =	sst s0;
	s0 =	simm.s32 @!p1 $0x0  }
0x14: {  	s2 =	sld [smem:$0x3F96];
	s0 =	simm.s32 @p1 $0x1  }
0x15: {  	[smem:$0x3FB3] =	sst s0;
	s0 =	simm.s32 @!p2 $0x0  }
0x16: {  	s3 =	sld [smem:$0x3FDB];
	s0 =	simm.s32 @p2 $0x1  }
0x17: {  	s4 =	simm.s32 $0x1BF5;
	[smem:$0x3FB5] =	sst s0  }
0x18: {  	s0 =	sld [smem:$0x3F98];
	_ =	swait.ge [sflag:s4], $0x0  }
0x19: {  	s7 =	sld [smem:$0x3F99]  }
0x1a: {  	s8 =	sadd.s32 $0xFFFFE003, lr  }
0x1b: {  	s9 =	sadd.s32 $0xFFFFFEF7, lr;
	s5 =	simm.s32 $0xFFFFFFFF;
	p2 =	slt.u32 s8, $0xFFFFF086  }
0x1c: {  	p1 =	slt.u32 s9, $0xF7A;
	s5 =	simm.s32 @!p2 $0x0  }
0x1d: {  	s5 =	simm.s32 @p1 $0x1;
	p0 =	seq.s32 s7, s2  }
0x1e: {  	s7 =	smul.u32 @!p0 $0xF7A, s2;
	p2 =	seq.s32 @!p0 s5, $0x0  }
0x1f: {  	s9 =	smul.u32 $0xF7A, s1;
	s8 =	simm.s32 @!p0 $0x1BF5;
	p2 =	por !p2, p0  }
0x20: {  	[sflag:s8] =	ssyncset.s32 @!p0 $0xFFFFF086;
	s6 =	sadd.s32 @!p0 s3, s7;
	s7 =	simm.s32 @!p0 $0x108  }
0x21: {  	s3 =	sadd.s32 s3, s9;
	s6 =	sadd.s32 @!p0 $0x88, s6;
	s7 =	simm.s32 @p2 $0x1082  }
0x22: {  	[simem:s7], [sflag:s8] =	dma.local @!p0 [hbm:s6], $0xF7A  }
0x23: {  	s9 =	sor.u32 $0xD0000000, s2;
	s6 =	simm.s32 $0x108;
	_ =	swait.ge @!p0 [sflag:s8], $0x0  }
0x24: {  	s3 =	sadd.s32 $0x88, s3;
	s6 =	simm.s32 @!p1 $0x1082;
	[sflag:s4] =	ssyncset.s32 $0xFFFFF086  }
0x25: {  	[simem:s6], [sflag:s4] =	dma.local [hbm:s3], $0xF7A  }
0x26: {  	[smem:$0x3F99] =	sst s1;
	(tag) =	ssettag s2;
	_ =	strace s9  }
0x27: {  	s1 =	sld [smem:$0x3FA9]  }
0x28: {  	s2 =	sld [smem:$0x3FAA]  }
0x29: {  	s4 =	sld [smem:$0x3FAC]  }
0x2a: {  	p0 =	seq.s32 s5, $0x0;
	s5 =	sld [smem:$0x3FAD]  }
0x2b: {  	s6 =	sld [smem:$0x3FAE]  }
0x2c: {  	s7 =	sld [smem:$0x3FAF]  }
0x2d: {  	s3 =	simm.s32 $0x108;
	s8 =	sld [smem:$0x3FB0]  }
0x2e: {  	s3 =	simm.s32 @!p0 $0x1082;
	s9 =	sld [smem:$0x3FB1]  }
0x2f: {  	lr =	sadd.s32 s0, s3;
	s0 =	sld [smem:$0x3FA8]  }
0x30: {  	s3 =	sld [smem:$0x3FAB]  }
0x31: {  	[smem:$0x3FB4] =	sst s10  }
0x32: {  	s10 =	sld [smem:$0x3FB2];
	_ =	sdelay $0x3  }
0x33: {  	p0 =	seq.s32 s10, $0x1;
	s10 =	sld [smem:$0x3FB4];
	_ =	sdelay $0x3  }
0x34: {  	[smem:$0x3FB4] =	sst s10  }
0x35: {  	s10 =	sld [smem:$0x3FB3];
	_ =	sdelay $0x3  }
0x36: {  	p1 =	seq.s32 s10, $0x1;
	s10 =	sld [smem:$0x3FB4];
	_ =	sdelay $0x3  }
0x37: {  	[smem:$0x3FB4] =	sst s10  }
0x38: {  	s10 =	sld [smem:$0x3FB5]  }
0x39: {  	_ = 	snop;
	(pc) =	sbr.ind lr, $3  }
0x3a: {  	_ = 	snop  }
0x3b: {  	_ = 	snop  }
0x3c: {  	p2 =	seq.s32 s10, $0x1;
	s10 =	sld [smem:$0x3FB4]  }
0x3d: {  	_ =	shalt  }
0x3e: {  	_ =	shalt  }
0x3f: {  	_ =	shalt  }
0x40: {  	_ =	shalt  }
0x41: {  	_ =	shalt  }
0x42: {  	_ =	shalt  }
0x43: {  	_ =	shalt  }
0x44: {  	_ =	shalt  }
0x45: {  	_ =	shalt  }
0x46: {  	_ =	shalt  }
0x47: {  	_ =	shalt  }
0x48: {  	_ =	shalt  }
0x49: {  	_ =	shalt  }
0x4a: {  	_ =	shalt  }
0x4b: {  	_ =	shalt  }
0x4c: {  	_ =	shalt  }
0x4d: {  	_ =	shalt  }
0x4e: {  	_ =	shalt  }
0x4f: {  	_ =	shalt  }
0x50: {  	_ =	shalt  }
0x51: {  	_ =	shalt  }
0x52: {  	_ =	shalt  }
0x53: {  	_ =	shalt  }
0x54: {  	_ =	shalt  }
0x55: {  	_ =	shalt  }
0x56: {  	_ =	shalt  }
0x57: {  	_ =	shalt  }
0x58: {  	_ =	shalt  }
0x59: {  	_ =	shalt  }
0x5a: {  	_ =	shalt  }
0x5b: {  	_ =	shalt  }
0x5c: {  	_ =	shalt  }
0x5d: {  	_ =	shalt  }
0x5e: {  	_ =	shalt  }
0x5f: {  	_ =	shalt  }
0x60: {  	_ =	shalt  }
0x61: {  	_ =	shalt  }
0x62: {  	_ =	shalt  }
0x63: {  	_ =	shalt  }
0x64: {  	_ =	shalt  }
0x65: {  	_ =	shalt  }
0x66: {  	_ =	shalt  }
0x67: {  	_ =	shalt  }
0x68: {  	_ =	shalt  }
0x69: {  	_ =	shalt  }
0x6a: {  	_ =	shalt  }
0x6b: {  	_ =	shalt  }
0x6c: {  	_ =	shalt  }
0x6d: {  	_ =	shalt  }
0x6e: {  	_ =	shalt  }
0x6f: {  	_ =	shalt  }
0x70: {  	_ =	shalt  }
0x71: {  	_ =	shalt  }
0x72: {  	_ =	shalt  }
0x73: {  	_ =	shalt  }
0x74: {  	_ =	shalt  }
0x75: {  	_ =	shalt  }
0x76: {  	_ =	shalt  }
0x77: {  	_ =	shalt  }
0x78: {  	_ =	shalt  }
0x79: {  	_ =	shalt  }
0x7a: {  	_ =	shalt  }
0x7b: {  	_ =	shalt  }
0x7c: {  	_ =	shalt  }
0x7d: {  	_ =	shalt  }
0x7e: {  	_ =	shalt  }
0x7f: {  	_ =	shalt  }
0x80: {  	_ =	shalt  }
0x81: {  	_ =	shalt  }
0x82: {  	_ =	shalt  }
0x83: {  	_ =	shalt  }
0x84: {  	_ =	shalt  }
0x85: {  	_ =	shalt  }
0x86: {  	_ =	shalt  }
0x87: {  	_ =	shalt  }
.Lfunc_end0:
.L_simem_size_0:
called_computation_lowered:
.L_overlay_start_0:
0x88: {  	s2 =	sld [smem:$0x3FD9]  }
0x89: {  	s3 =	sld [smem:$0x3FFE];
	_ =	sdelay $0x1  }
0x8a: {  	s1 =	srdreg.scid  }
0x8b: {  	s0 =	sand.u32 $0x1, s1  }
0x8c: {  	s16 =	sshll.u32 s0, $0xA;
	s2 =	sadd.s32 s3, s2  }
0x8d: {  	s2 =	sadd.s32 s2, s16  }
0x8e: {  	[smem:$0x3FC0] =	sst s2  }
0x8f: {  	_ = 	snop  }
0x90: {  	(tm) =	ssettm $0x1  }
0x91: {  	s17 =	sld [smem:$0x3FFB];
	_ =	sdelay $0x3  }
0x92: {  	_ =	strace s17  }
0x93: {  	s2 =	sld [smem:$0x3FFC];
	_ =	sdelay $0x3  }
0x94: {  	_ =	strace s2  }
0x95: {  	s2 =	sld [smem:$0x3FFD];
	_ =	sdelay $0x3  }
0x96: {  	_ =	strace s2  }
0x97: {  	_ =	strace $0x8FFFFFFF  }
0x98: {  	s18 =	sld [smem:$0x3FDB];
	_ =	sdelay $0x1  }
0x99: {  	s19 =	simm.s32 $_scs_section_size  }
0x9a: {  	s4 =	simm.s32 $_size__tile_overlayer_lowered;
	s5 =	simm.s32 $_tile_overlayer_lowered  }
0x9b: {  	s22 =	simm.s32 $0x1BFF;
	s21 =	sshll.u32 s5, $0x1;
	s2 =	sadd.s32 s19, s18  }
0x9c: {  	s6 =	simm.s32 $0x0;
	s20 =	sshll.u32 s4, $0x1;
	s4 =	sadd.s32 s21, s2  }
0x9d: {  	[timem:s6], [sflag:s22] =	dma.local [hbm:s4], s20  }
0x9e: {  	_ =	swait.ge [sflag:s22], s20  }
0x9f: {  	s3 =	ssub.s32 $0x0, s20;
	[sflag:s22] =	ssyncset.done $0x0  }
0xa0: {  	[sflag:s22] =	ssyncadd.s32 s3;
	_ =	sdelay $0x1  }
0xa1: {  	s23 =	simm.s32 $0x1B8B  }
0xa2: {  	_ =	swait.ge [sflag:s23], $0x1  }
0xa3: {  	[sflag:s23] =	ssyncset.done $0x0  }
0xa4: {  	s25 =	simm.s32 $0x1B8E;
	s24 =	sld [smem:$0x3FFE];
	[sflag:s23] =	ssyncadd.s32 $0xFFFFFFFF  }
0xa5: {  	s26 =	simm.s32 $execute0_lowered;
	[smem:$0x3FD2] =	sst s25  }
0xa6: {  	s4 =	sshll.u32 s26, $0x1;
	_ =	strace $0x80000046;
	[dreg:$0x1] =	wrdreg $0xFFFFFFFF  }
0xa7: {  	s28 =	simm.s32 $_size_execute0_lowered;
	s2 =	sadd.s32 s2, s4;
	[dreg:$0x0] =	wrdreg $0x0  }
0xa8: {  	s4 =	sshll.u32 s28, $0x1;
	[dreg:$0x2] =	wrdreg s2  }
0xa9: {  	[dreg:$0x3] =	wrdreg s4  }
0xaa: {  	[dreg:$0x4] =	wrdreg $0xC0  }
0xab: {  	_ =	task [dreg:s6], $0x5FFFF  }
0xac: {  	[dreg:$0x1] =	wrdreg $0xFFFFFFFF  }
0xad: {  	[dreg:$0x0] =	wrdreg $0x60  }
0xae: {  	[dreg:$0x2] =	wrdreg s24  }
0xaf: {  	[dreg:$0x3] =	wrdreg $0xC4000  }
0xb0: {  	[dreg:$0x4] =	wrdreg $0x9  }
0xb1: {  	_ =	task.clear_ibuf [dreg:s6], $0x5FFFF;
	_ =	strace $0x90000046  }
0xb2: {  	s29 =	simm.s32 $0x9;
	_ =	strace $0x80000048  }
0xb3: {  	_ =	swait.ge [sflag:s29], $0x1  }
0xb4: {  	[sflag:s29] =	ssyncadd.s32 $0xFFFFFFFF  }
0xb5: {  	_ =	strace $0x90000048  }
0xb6: {  	_ =	sfence  }
0xb7: {  	s30 =	sld [smem:$0x0];
	_ =	sdelay $0x2  }
0xb8: {  	s31 =	sshll.u32 s1, $0xD;
	s1 =	sshrl.u32 s1, $0x2  }
0xb9: {  	s3 =	sand.u32 $0x4000, s31;
	s1 =	sadd.s32 s1, s30  }
0xba: {  	s0 =	sor.u32 s3, s0;
	s1 =	sshll.u32 s1, $0x11  }
0xbb: {  	s0 =	sor.u32 s1, s0  }
0xbc: {  	s0 =	sadd.s32 $0x8F2B, s0  }
0xbd: {  	[sflag:s0] =	ssyncadd.remote.s32 $0x1  }
0xbe: {  	_ =	sfence.sel $0xFFFF  }
0xbf: {  	[dreg:$0x0] =	wrdreg $0xFFFFFFFF;
	(pc) =	sbr.abs _section_cstart, $3  }
0xc0: {  	[dreg:$0x1] =	wrdreg $0xFFFFFFFF  }
0xc1: {  	_ =	task.clear_ibuf [dreg:s6], $0x2FFFF;
	_ =	strace $0x9FFFFFFF  }
0xc2: {  	(tm) =	ssettm $0x7FFFFFFF  }
0xc3: {  	_ =	shalt  }
tec
execute0_lowered:
.L_overlay_start_1:
0x0: {  	(tag) =	ssettag $0x1  }
0x1: {  	s0 =	srdreg.scid  }
0x2: {  	s3 =	sand.u32 $0x1, s0  }
0x3: {  	s8 =	stileid.u32;
	s5 =	rddreg [dreg:$0x0];
	s4 =	sshll.u32 s3, $0x4  }
0x4: {  	s1 =	rddreg [dreg:$0x1];
	s28 =	sor.u32 s8, s4  }
0x5: {  	s2 =	simm.s32 $0x0;
	s10 =	simm.s32 $0x0;
	s0 =	sshrl.u32 s28, $0x3  }
0x6: {  	s29 =	sshll.u32 s8, $0x7;
	[smem:$0x7FF] =	sst s2;
	s6 =	smul.u32 $0x31000, s0  }
0x7: {  	p0 =	sne.s32 s8, $0x0;
	s7 =	sand.u32 $0x380, s29;
	s30 =	ssub.s32 $0x2, s3  }
0x8: {  	s3 =	sadd.s32 $0x1AC00, s5;
	s9 =	sshrl.u32 @!p0 s1, $0x3;
	s6 =	sor.u32 s7, s6  }
0x9: {  	s31 =	sshrl.u32 s30, $0x1;
	s8 =	simm.s32 $0x400;
	s6 =	sshrl.u32 s6, $0x3  }
0xa: {  	s0 =	rddreg [dreg:$0x2];
	_ =	strace $0x80000047;
	s6 =	sadd.s32 s6, s5  }
0xb: {  	s7 =	ssub.s32 s30, s31;
	s5 =	sadd.s32 s4, s5;
	s4 =	sadd.s32 $0x2400, s6  }
0xc: {  	v0 =	vimm.f32 $1.000000000e+00;
	s5 =	sadd.s32 $0x1C600, s5;
	s6 =	smax.u32 s7, $0x1;
	s7 =	simm.s32 $0x80  }
.LBB2_1:
0xd: {  	[tilespmem:s2], [sflag:$0x1] =	stream.strided.gather [hbm4b:s4+s7], $0x6200, s8, s7, $0x38;
	[tilespmem:$0xD038] =	vst v63  }
0xe: {  	s11 =	simm.s32 $0x40;
	s12 =	simm.s32 $0x0  }
.LBB2_2:
0xf: {  	p1 =	sne.s32 s11, $0x187C0;
	[tilespmem:s12+$0x6200] =	vst v0;
	s12 =	smov.u32 s11;
	s11 =	sadd.s32 $0x40, s11  }
.Ltmp0:
0x10: {  	(pc) =	sbr.rel @p1 .LBB2_2-.Ltmp0, $2  }
0x11: {  	_ =	sdelay $0x2  }
0x12: {  	s12 =	sshra.s32 s12, $0x2  }
0x13: {  	[tilespmem:s12+$0x6200] =	vst v0;
	s11 =	simm.s32 @p0 $0x1  }
0x14: {  	_ =	swait.ge @p0 [sflag:s11], $0x6200  }
0x15: {  	[sflag:s11] =	ssyncset.done @p0 $0x0  }
0x16: {  	[sflag:s11] =	ssyncadd.s32 @p0 $0xFFFF9E00  }
0x17: {  	s12 =	simm.s32 @p0 $0x6200;
	s11 =	simm.s32 @p0 $0x0;
	[bflag:$0x0] =	sbarrier.arrive @p0 $0xFFFF  }
0x18: {  	[spmem:s1] =	stream.indirect.scatter.add.f32 @p0 [tilespmem:s12], [sflag:$0x2], $0x1, s11, s12, $0xb8;
	[tilespmem:$0xD038] =	vst v63  }
0x19: {  	s11 =	simm.s32 @p0 $0x2  }
0x1a: {  	_ =	swait.ge @p0 [sflag:s11], $0x6200  }
0x1b: {  	[sflag:s11] =	ssyncset.done @p0 $0x0  }
0x1c: {  	[sflag:s11] =	ssyncadd.s32 @p0 $0xFFFF9E00  }
0x1d: {  	s12 =	simm.s32 @!p0 $0x2;
	s11 =	simm.s32 @!p0 $0x1C02;
	[bflag:$0x0] =	sbarrier.arrive @p0 $0xFFFF  }
0x1e: {  	[spmem:s9], [sflag:s11] =	dma.local @!p0 [hbm:s3], $0x1870  }
0x1f: {  	_ =	swait.ge @!p0 [sflag:s12], $0x1870  }
0x20: {  	[sflag:s12] =	ssyncset.done @!p0 $0x0  }
0x21: {  	s13 =	simm.s32 @!p0 $0x1;
	[sflag:s12] =	ssyncadd.s32 @!p0 $0xFFFFE790  }
0x22: {  	_ =	swait.ge @!p0 [sflag:s13], $0x6200  }
0x23: {  	[sflag:s13] =	ssyncset.done @!p0 $0x0  }
0x24: {  	[sflag:s13] =	ssyncadd.s32 @!p0 $0xFFFF9E00  }
0x25: {  	s14 =	simm.s32 @!p0 $0x0;
	s15 =	simm.s32 @!p0 $0x6200;
	[bflag:$0x0] =	sbarrier.arrive @!p0 $0xFFFF  }
0x26: {  	[spmem:s1] =	stream.indirect.scatter.add.f32 @!p0 [tilespmem:s15], [sflag:$0x2], $0x1, s14, s15, $0xb8;
	[tilespmem:$0xD038] =	vst v63  }
0x27: {  	_ =	swait.ge @!p0 [sflag:s12], $0x6200  }
0x28: {  	s10 =	sadd.s32 $0x1, s10;
	[sflag:s12] =	ssyncset.done @!p0 $0x0  }
0x29: {  	p1 =	sne.s32 s10, s6;
	s14 =	simm.s32 @!p0 $0x20;
	[sflag:s12] =	ssyncadd.s32 @!p0 $0xFFFF9E00  }
.Ltmp1:
0x2a: {  	s15 =	simm.s32 @!p0 $0x10;
	[bflag:$0x0] =	sbarrier.arrive @!p0 $0xFFFF;
	(pc) =	sbr.rel @p1 .LBB2_1-.Ltmp1, $4  }
0x2b: {  	[hbm:s5@s14], [sflag:s11] =	dma.strided @!p0 [spmem:s9@s15], $0x1870, s13, $0x10   }
0x2c: {  	_ =	swait.ge @!p0 [sflag:s12], $0x1870  }
0x2d: {  	[sflag:s12] =	ssyncset.done @!p0 $0x0  }
0x2e: {  	[sflag:s12] =	ssyncadd.s32 @!p0 $0xFFFFE790  }
0x2f: {  	_ =	sfence.sel $0x180000  }
0x30: {  	[bflag:$0x0] =	sbarrier.arrive $0xFFFF  }
0x31: {  	_ =	strace $0x90000047  }
0x32: {  	s0 =	sadd.s32 @!p0 $0x100000, s0;
	[bflag:$0x2] =	sbarrier.arrive $0xFFFF  }
0x33: {  	[sflag:s0] =	ssyncadd.tile.s32 @!p0 $0x1;
	_ =	shalt  }
.Lfunc_end2:
_tile_overlayer_lowered:
.L_overlay_start_2:
0x34: {  	(tag) =	ssettag $0x2  }
0x35: {  	s0 =	rddreg [dreg:$0x0];
	s2 =	stileid.u32  }
0x36: {  	s1 =	rddreg [dreg:$0x1];
	p0 =	sne.s32 s2, $0x0  }
0x37: {  	s3 =	rddreg [dreg:$0x2];
	[bflag:$0x3] =	sbarrier.arrive $0xFFFF;
	s2 =	simm.s32 @!p0 $0x1C02  }
0x38: {  	[timem:s3], [sflag:s2] =	dma.local @!p0 [hbm:s0], s1  }
0x39: {  	s0 =	simm.s32 @!p0 $0x2  }
0x3a: {  	_ =	swait.ge @!p0 [sflag:s0], s1  }
0x3b: {  	s1 =	ssub.s32 @!p0 $0x0, s1;
	[sflag:s0] =	ssyncset.done @!p0 $0x0  }
0x3c: {  	[sflag:s0] =	ssyncadd.s32 @!p0 s1  }
0x3d: {  	[bflag:$0x3] =	sbarrier.arrive $0xFFFF  }
0x3e: {  	_ =	shalt  }

</sc_bundles>
